<compile_context>
chip_gen: v7x
topology: tpu7x:2x2x1
jax: 0.10.2.dev20260603
libtpu: 0.0.44.dev20260713+nightly
codegen_flags: <defaults>
</compile_context>

<pallas_src>
import functools

import jax
import jax.numpy as jnp
from jax import lax
from jax.experimental import pallas as pl
from jax.experimental.pallas import tpu as pltpu
from jax.experimental.pallas import tpu_sc as plsc

_sds = jax.ShapeDtypeStruct

N = 10000
E = 160000
D = 256
DE = 16

NC = 2
NS = 16
NW = NC * NS

GCH = 128
K0 = 40
K1 = 40
EPAD = (K0 + K1) * NS * GCH
OFF1 = K0 * NS * GCH

SCH = 80
EPT = E // NS
SCHUNKS = EPT // SCH
NPAD = 10240
DH = D // 2
ROWS_PT = NPAD // NS

NBLK = 1000
EBLK = 2000


def _silu(x):
    return x * (1.0 / (1.0 + jnp.exp(-x)))



def _bf16_bits(x):
    u = jax.lax.bitcast_convert_type(x, jnp.int32)
    r = u + 0x7FFF + ((u >> 16) & 1)
    return (r >> 16) & 0xFFFF


def _pack_halves(p):
    return _bf16_bits(p[:, :DH]) | (_bf16_bits(p[:, DH:]) << 16)


def _unpack_halves(g):
    lo = jax.lax.bitcast_convert_type(g << 16, jnp.float32)
    hi = jax.lax.bitcast_convert_type(g & jnp.int32(-65536), jnp.float32)
    return jnp.concatenate([lo, hi], axis=1)


def _pre_body(h_ref, ws_ref, wt_ref, os0_ref, ot0_ref, os1_ref, ot1_ref):
    hb = h_ref[...].astype(jnp.bfloat16)
    ps = _pack_halves(jnp.dot(hb, ws_ref[...],
                              preferred_element_type=jnp.float32))
    pt = _pack_halves(jnp.dot(hb, wt_ref[...],
                              preferred_element_type=jnp.float32))
    os0_ref[...] = ps
    os1_ref[...] = ps
    ot0_ref[...] = pt
    ot1_ref[...] = pt


def _edge_body(src_ref, tgt_ref, ea_ref, wee_ref, b1_ref, w2_ref, b2_ref,
               mij_ref):
    x = (_unpack_halves(src_ref[...]) + _unpack_halves(tgt_ref[...])
         + jnp.dot(ea_ref[...].astype(jnp.bfloat16), wee_ref[...],
                   preferred_element_type=jnp.float32)
         + b1_ref[...])
    t = _silu(x)
    y = (jnp.dot(t.astype(jnp.bfloat16), w2_ref[...],
                 preferred_element_type=jnp.float32)
         + b2_ref[...])
    mij_ref[...] = _silu(y)


def _node_body(h_ref, agg_ref, w1h_ref, w1a_ref, b1_ref, w2_ref, b2_ref,
               o_ref):
    hb = h_ref[...]
    x = (jnp.dot(hb.astype(jnp.bfloat16), w1h_ref[...],
                 preferred_element_type=jnp.float32)
         + jnp.dot(agg_ref[...].astype(jnp.bfloat16), w1a_ref[...],
                   preferred_element_type=jnp.float32)
         + b1_ref[...])
    t = _silu(x)
    o_ref[...] = (hb + jnp.dot(t.astype(jnp.bfloat16), w2_ref[...],
                               preferred_element_type=jnp.float32)
                  + b2_ref[...])



def _gather_call(psrc0, ptgt0, psrc1, ptgt1, rowp, colp):
    mesh = plsc.VectorSubcoreMesh(core_axis_name="c", subcore_axis_name="s")

    @functools.partial(
        pl.kernel,
        out_type=(_sds((EPAD, DH), jnp.int32), _sds((EPAD, DH), jnp.int32)),
        mesh=mesh,
        scratch_types=[
            pltpu.VMEM((max(K0, K1) * GCH,), jnp.int32),
            pltpu.VMEM((max(K0, K1) * GCH,), jnp.int32),
            pltpu.VMEM((GCH, DH), jnp.int32),
            pltpu.VMEM((GCH, DH), jnp.int32),
            pltpu.VMEM((GCH, DH), jnp.int32),
            pltpu.VMEM((GCH, DH), jnp.int32),
            pltpu.SemaphoreType.DMA,
            pltpu.SemaphoreType.DMA,
            pltpu.SemaphoreType.DMA,
            pltpu.SemaphoreType.DMA,
        ],
    )
    def gather_k(psrc0_h, ptgt0_h, psrc1_h, ptgt1_h, rowp_h, colp_h,
                 osrc_h, otgt_h,
                 idx_r, idx_c, buf_s0, buf_t0, buf_s1, buf_t1,
                 sem_s0, sem_t0, sem_s1, sem_t1):
        c = lax.axis_index("c")
        s = lax.axis_index("s")
        slots = ((buf_s0, buf_t0, sem_s0, sem_t0),
                 (buf_s1, buf_t1, sem_s1, sem_t1))

        def run(psrc_h, ptgt_h, base, nchunks):
            epw = nchunks * GCH
            pltpu.sync_copy(rowp_h.at[pl.ds(base, epw)],
                            idx_r.at[pl.ds(0, epw)])
            pltpu.sync_copy(colp_h.at[pl.ds(base, epw)],
                            idx_c.at[pl.ds(0, epw)])
            def copies(slot, i):
                buf_s, buf_t, sem_s, sem_t = slot
                ds = pl.ds(i * GCH, GCH)
                return (pltpu.make_async_copy(psrc_h.at[idx_r.at[ds]], buf_s,
                                              sem_s),
                        pltpu.make_async_copy(ptgt_h.at[idx_c.at[ds]], buf_t,
                                              sem_t))

            def start(slot, i):
                for cp in copies(slot, i):
                    cp.start()

            def finish(slot, i):
                for cp in copies(slot, i):
                    cp.wait()
                buf_s, buf_t, _, _ = slot
                off = base + i * GCH
                pltpu.sync_copy(buf_s, osrc_h.at[pl.ds(off, GCH)])
                pltpu.sync_copy(buf_t, otgt_h.at[pl.ds(off, GCH)])

            start(slots[0], 0)
            start(slots[1], 1)

            def body(k, carry):
                for b in range(2):
                    i = 2 * k + b

                    @pl.when(i < nchunks)
                    def _():
                        finish(slots[b], i)

                    @pl.when(i + 2 < nchunks)
                    def _():
                        start(slots[b], i + 2)
                return carry

            lax.fori_loop(0, (nchunks + 1) // 2, body, 0)

        @pl.when(c == 0)
        def _():
            run(psrc0_h, ptgt0_h, s * (K0 * GCH), K0)

        @pl.when(c == 1)
        def _():
            run(psrc1_h, ptgt1_h, OFF1 + s * (K1 * GCH), K1)

    return gather_k(psrc0, ptgt0, psrc1, ptgt1, rowp, colp)


def _scatter_call(mij, row, zrows):
    mesh = plsc.VectorSubcoreMesh(core_axis_name="c", subcore_axis_name="s")

    @functools.partial(
        pl.kernel,
        out_type=_sds((NPAD, D), jnp.float32),
        mesh=mesh,
        scratch_types=[
            pltpu.VMEM((SCH,), jnp.int32),
            pltpu.VMEM((SCH,), jnp.int32),
            pltpu.VMEM((SCH, DH), jnp.float32),
            pltpu.VMEM((SCH, DH), jnp.float32),
            pltpu.VMEM_SHARED((NPAD, DH), jnp.float32),
            pltpu.SemaphoreType.DMA,
            pltpu.SemaphoreType.DMA,
            pltpu.SemaphoreType.DMA,
            pltpu.SemaphoreType.DMA,
            pltpu.SemaphoreType.DMA,
            pltpu.SemaphoreType.DMA,
        ],
    )
    def scatter_k(mij_h, row_h, zrows_h, agg_h, idx0, idx1, mbuf0, mbuf1, acc,
                  six0, six1, sin0, sin1, sadd0, sadd1):
        c = lax.axis_index("c")
        s = lax.axis_index("s")
        pltpu.sync_copy(zrows_h, acc.at[pl.ds(s * ROWS_PT, ROWS_PT)])
        base = s * EPT
        plsc.subcore_barrier()
        slots = ((idx0, mbuf0, six0, sin0, sadd0),
                 (idx1, mbuf1, six1, sin1, sadd1))

        def run_half(col0):
            def idx_cp(slot, i):
                idx, _, six, _, _ = slot
                return pltpu.make_async_copy(
                    row_h.at[pl.ds(base + i * SCH, SCH)], idx, six)

            def load_cp(slot, i):
                _, mbuf, _, sin, _ = slot
                return pltpu.make_async_copy(
                    mij_h.at[pl.ds(base + i * SCH, SCH), pl.ds(col0, DH)],
                    mbuf, sin)

            def add_cp(slot):
                idx, mbuf, _, _, sadd = slot
                return pltpu.make_async_copy(mbuf, acc.at[idx], sadd)

            def start(slot, i):
                idx_cp(slot, i).start()
                load_cp(slot, i).start()

            start(slots[0], 0)
            start(slots[1], 1)

            def body(k, carry):
                for b in range(2):
                    i = 2 * k + b

                    @pl.when(i < SCHUNKS)
                    def _():
                        idx_cp(slots[b], i).wait()
                        load_cp(slots[b], i).wait()
                        idx, mbuf, _, _, sadd = slots[b]
                        pltpu.async_copy(mbuf, acc.at[idx], sadd, add=True)

                    @pl.when(i + 2 < SCHUNKS)
                    def _():
                        add_cp(slots[b]).wait()
                        start(slots[b], i + 2)
                return carry

            lax.fori_loop(0, (SCHUNKS + 1) // 2, body, 0)
            add_cp(slots[(SCHUNKS - 2) % 2]).wait()
            add_cp(slots[(SCHUNKS - 1) % 2]).wait()
            plsc.subcore_barrier()
            pltpu.sync_copy(
                acc.at[pl.ds(s * ROWS_PT, ROWS_PT)],
                agg_h.at[pl.ds(s * ROWS_PT, ROWS_PT), pl.ds(col0, DH)])

        @pl.when(c == 0)
        def _():
            run_half(0)

        @pl.when(c == 1)
        def _():
            run_half(DH)

    return scatter_k(mij, row, zrows)



def kernel(h, edge_index, edge_attr, W_e1, b_e1, W_e2, b_e2,
           W_n1, b_n1, W_n2, b_n2):
    f32 = jnp.float32
    row = edge_index[0].astype(jnp.int32)
    col = edge_index[1].astype(jnp.int32)
    pad = jnp.zeros((EPAD - E,), jnp.int32)
    rowp = jnp.concatenate([row, pad])
    colp = jnp.concatenate([col, pad])

    p_src0, p_tgt0, p_src1, p_tgt1 = pl.pallas_call(
        _pre_body,
        grid=(N // NBLK,),
        in_specs=[
            pl.BlockSpec((NBLK, D), lambda i: (i, 0)),
            pl.BlockSpec((D, D), lambda i: (0, 0)),
            pl.BlockSpec((D, D), lambda i: (0, 0)),
        ],
        out_specs=[pl.BlockSpec((NBLK, DH), lambda i: (i, 0))] * 4,
        out_shape=[_sds((N, DH), jnp.int32)] * 4,
    )(h, W_e1[:D].astype(jnp.bfloat16), W_e1[D:2 * D].astype(jnp.bfloat16))

    g_src, g_tgt = _gather_call(p_src0, p_tgt0, p_src1, p_tgt1, rowp, colp)

    mij = pl.pallas_call(
        _edge_body,
        grid=(E // EBLK,),
        in_specs=[
            pl.BlockSpec((EBLK, DH), lambda i: (i, 0)),
            pl.BlockSpec((EBLK, DH), lambda i: (i, 0)),
            pl.BlockSpec((EBLK, DE), lambda i: (i, 0)),
            pl.BlockSpec((DE, D), lambda i: (0, 0)),
            pl.BlockSpec((1, D), lambda i: (0, 0)),
            pl.BlockSpec((D, D), lambda i: (0, 0)),
            pl.BlockSpec((1, D), lambda i: (0, 0)),
        ],
        out_specs=pl.BlockSpec((EBLK, D), lambda i: (i, 0)),
        out_shape=_sds((E, D), f32),
    )(g_src, g_tgt, edge_attr, W_e1[2 * D:].astype(jnp.bfloat16),
      b_e1.reshape(1, D), W_e2.astype(jnp.bfloat16), b_e2.reshape(1, D))

    zrows = jnp.zeros((ROWS_PT, DH), f32)
    agg = _scatter_call(mij, row, zrows)

    h_out = pl.pallas_call(
        _node_body,
        grid=(N // NBLK,),
        in_specs=[
            pl.BlockSpec((NBLK, D), lambda i: (i, 0)),
            pl.BlockSpec((NBLK, D), lambda i: (i, 0)),
            pl.BlockSpec((D, D), lambda i: (0, 0)),
            pl.BlockSpec((D, D), lambda i: (0, 0)),
            pl.BlockSpec((1, D), lambda i: (0, 0)),
            pl.BlockSpec((D, D), lambda i: (0, 0)),
            pl.BlockSpec((1, D), lambda i: (0, 0)),
        ],
        out_specs=pl.BlockSpec((NBLK, D), lambda i: (i, 0)),
        out_shape=_sds((N, D), f32),
    )(h, agg, W_n1[:D].astype(jnp.bfloat16), W_n1[D:].astype(jnp.bfloat16),
      b_n1.reshape(1, D), W_n2.astype(jnp.bfloat16), b_n2.reshape(1, D))

    return (h_out, mij)

# --- scband reference (transcript-rebuilt; emitter-appended) ---
"""Pipeline reference for scband-gcl-30494267801864 (READ-ONLY COPY).

The authoritative reference and input builder live on the scoring server;
editing this copy changes nothing except your own understanding.
"""

import jax, jax.numpy as jnp
import numpy as np

N = 10000
E = 160000
D_IN = 256
D_EDGE = 16
D_HID = 256
D_OUT = 256
NORM_FACTOR = 1.0


def silu(x):
    return x * jax.nn.sigmoid(x)


def setup_inputs(seed: int = 0) -> dict:
    key = jax.random.key(seed)
    ks = jax.random.split(key, 12)
    h = jax.random.normal(ks[0], (N, D_IN), dtype=jnp.float32)
    edge_index = jax.random.randint(ks[1], (2, E), 0, N, dtype=jnp.int64)
    edge_attr = jax.random.normal(ks[2], (E, D_EDGE), dtype=jnp.float32)
    in_edge = 2 * D_IN + D_EDGE
    W_e1 = jax.random.normal(ks[3], (in_edge, D_HID), dtype=jnp.float32) / np.sqrt(in_edge)
    b_e1 = jnp.zeros((D_HID,), dtype=jnp.float32)
    W_e2 = jax.random.normal(ks[4], (D_HID, D_HID), dtype=jnp.float32) / np.sqrt(D_HID)
    b_e2 = jnp.zeros((D_HID,), dtype=jnp.float32)
    in_node = D_HID + D_IN
    W_n1 = jax.random.normal(ks[5], (in_node, D_HID), dtype=jnp.float32) / np.sqrt(in_node)
    b_n1 = jnp.zeros((D_HID,), dtype=jnp.float32)
    W_n2 = jax.random.normal(ks[6], (D_HID, D_OUT), dtype=jnp.float32) / np.sqrt(D_HID)
    b_n2 = jnp.zeros((D_OUT,), dtype=jnp.float32)
    return {"h": h, "edge_index": edge_index, "edge_attr": edge_attr,
            "W_e1": W_e1, "b_e1": b_e1, "W_e2": W_e2, "b_e2": b_e2,
            "W_n1": W_n1, "b_n1": b_n1, "W_n2": W_n2, "b_n2": b_n2}


def reference(h, edge_index, edge_attr, W_e1, b_e1, W_e2, b_e2, W_n1, b_n1, W_n2, b_n2):
    row = edge_index[0]
    col = edge_index[1]
    source = jnp.take(h, row, axis=0)
    target = jnp.take(h, col, axis=0)
    # edge_model (no attention, no edge_mask)
    out = jnp.concatenate([source, target, edge_attr], axis=1)
    mij = silu(silu(out @ W_e1 + b_e1) @ W_e2 + b_e2)
    edge_feat = mij
    # node_model: unsorted_segment_sum with aggregation 'sum' -> divide by normalization_factor
    agg = jax.ops.segment_sum(edge_feat, row, num_segments=N)
    agg = agg / NORM_FACTOR
    agg = jnp.concatenate([h, agg], axis=1)
    h_out = h + (silu(agg @ W_n1 + b_n1) @ W_n2 + b_n2)
    return (h_out, mij)

if __name__ == "__main__":
    import jax
    _d = setup_inputs()
    print(jax.jit(kernel)(*tuple(_d.values())))

</pallas_src>

<mosaic_0001>
#map = affine_map<(d0, d1) -> (0, 0)>
#map1 = affine_map<(d0, d1) -> (0)>
module attributes {stable_mosaic.version = 14 : i64} {
  func.func @gather_k(%arg0: i32, %arg1: i32, %arg2: memref<10000x128xi32, #tpu.memory_space<hbm>>, %arg3: memref<10000x128xi32, #tpu.memory_space<hbm>>, %arg4: memref<10000x128xi32, #tpu.memory_space<hbm>>, %arg5: memref<10000x128xi32, #tpu.memory_space<hbm>>, %arg6: memref<163840xi32, #tpu.memory_space<hbm>>, %arg7: memref<163840xi32, #tpu.memory_space<hbm>>, %arg8: memref<163840x128xi32, #tpu.memory_space<hbm>>, %arg9: memref<163840x128xi32, #tpu.memory_space<hbm>>, %arg10: memref<5120xi32, #tpu.memory_space<vmem>>, %arg11: memref<5120xi32, #tpu.memory_space<vmem>>, %arg12: memref<128x128xi32, #tpu.memory_space<vmem>>, %arg13: memref<128x128xi32, #tpu.memory_space<vmem>>, %arg14: memref<128x128xi32, #tpu.memory_space<vmem>>, %arg15: memref<128x128xi32, #tpu.memory_space<vmem>>, %arg16: memref<!tpu.dma_semaphore, #tpu.memory_space<semaphore_mem>>, %arg17: memref<!tpu.dma_semaphore, #tpu.memory_space<semaphore_mem>>, %arg18: memref<!tpu.dma_semaphore, #tpu.memory_space<semaphore_mem>>, %arg19: memref<!tpu.dma_semaphore, #tpu.memory_space<semaphore_mem>>) attributes {dimension_semantics = [#tpu.dimension_semantics<core_parallel>, #tpu.dimension_semantics<subcore_parallel>], iteration_bounds = array<i64: 2, 16>, scalar_prefetch = 0 : i64, scratch_operands = 10 : i64, tpu.core_type = #tpu.core_type<sc_vector_subcore>, window_params = [{transform_indices = #map}, {transform_indices = #map}, {transform_indices = #map}, {transform_indices = #map}, {transform_indices = #map1}, {transform_indices = #map1}, {transform_indices = #map}, {transform_indices = #map}]} {
    %eq3A = arith.constant 0 : i32
    %eq3A_0 = arith.cmpi eq, %arg0, %eq3A : i32
    %convert_element_type3A = arith.extui %eq3A_0 : i1 to i32
    %cond3A = arith.constant 0 : i32
    %cond3A_1 = arith.cmpi ne, %convert_element_type3A, %cond3A : i32
    scf.if %cond3A_1 {
      %mul3A = arith.constant 5120 : i32
      %mul3A_7 = arith.muli %arg1, %mul3A : i32
      "tpu.region"() ({
        %run_scoped3A = tpu.sem_alloc : memref<!tpu.dma_semaphore, #tpu.memory_space<semaphore_mem>>
        %dma_start3A_32 = arith.constant 0 : i32
        %dma_start3A_33 = tpu.memref_slice %arg10[%dma_start3A_32] : memref<5120xi32, #tpu.memory_space<vmem>> -> memref<5120xi32, #tpu.memory_space<vmem>>
        %dma_start3A_34 = tpu.memref_slice %arg6[%mul3A_7] : memref<163840xi32, #tpu.memory_space<hbm>> -> memref<5120xi32, #tpu.memory_space<hbm>>
        %dma_start3A_35 = arith.constant 0 : i32
        %dma_start3A_36 = tpu.memref_slice %arg10[%dma_start3A_35] : memref<5120xi32, #tpu.memory_space<vmem>> -> memref<5120xi32, #tpu.memory_space<vmem>>
        %dma_start3A_37 = tpu.memref_slice %arg6[%mul3A_7] : memref<163840xi32, #tpu.memory_space<hbm>> -> memref<5120xi32, #tpu.memory_space<hbm>>
        tpu.enqueue_dma source(%dma_start3A_37 : memref<5120xi32, #tpu.memory_space<hbm>>) target(%dma_start3A_36 : memref<5120xi32, #tpu.memory_space<vmem>>) target_semaphore(%run_scoped3A : memref<!tpu.dma_semaphore, #tpu.memory_space<semaphore_mem>>)
        %dma_wait3A = arith.constant 0 : i32
        %dma_wait3A_38 = tpu.memref_slice %arg10[%dma_wait3A] : memref<5120xi32, #tpu.memory_space<vmem>> -> memref<5120xi32, #tpu.memory_space<vmem>>
        %dma_wait3A_39 = tpu.memref_slice %arg6[%mul3A_7] : memref<163840xi32, #tpu.memory_space<hbm>> -> memref<5120xi32, #tpu.memory_space<hbm>>
        %dma_wait3A_40 = arith.constant 0 : i32
        %dma_wait3A_41 = tpu.memref_slice %arg10[%dma_wait3A_40] : memref<5120xi32, #tpu.memory_space<vmem>> -> memref<5120xi32, #tpu.memory_space<vmem>>
        %dma_wait3A_42 = tpu.memref_slice %arg6[%mul3A_7] : memref<163840xi32, #tpu.memory_space<hbm>> -> memref<5120xi32, #tpu.memory_space<hbm>>
        tpu.wait_dma2 semaphore(%run_scoped3A : memref<!tpu.dma_semaphore, #tpu.memory_space<semaphore_mem>>) src(%dma_wait3A_42 : memref<5120xi32, #tpu.memory_space<hbm>>) dst(%dma_wait3A_41 : memref<5120xi32, #tpu.memory_space<vmem>>)
        tpu.yield
      }) : () -> ()
      "tpu.region"() ({
        %run_scoped3A = tpu.sem_alloc : memref<!tpu.dma_semaphore, #tpu.memory_space<semaphore_mem>>
        %dma_start3A_32 = arith.constant 0 : i32
        %dma_start3A_33 = tpu.memref_slice %arg11[%dma_start3A_32] : memref<5120xi32, #tpu.memory_space<vmem>> -> memref<5120xi32, #tpu.memory_space<vmem>>
        %dma_start3A_34 = tpu.memref_slice %arg7[%mul3A_7] : memref<163840xi32, #tpu.memory_space<hbm>> -> memref<5120xi32, #tpu.memory_space<hbm>>
        %dma_start3A_35 = arith.constant 0 : i32
        %dma_start3A_36 = tpu.memref_slice %arg11[%dma_start3A_35] : memref<5120xi32, #tpu.memory_space<vmem>> -> memref<5120xi32, #tpu.memory_space<vmem>>
        %dma_start3A_37 = tpu.memref_slice %arg7[%mul3A_7] : memref<163840xi32, #tpu.memory_space<hbm>> -> memref<5120xi32, #tpu.memory_space<hbm>>
        tpu.enqueue_dma source(%dma_start3A_37 : memref<5120xi32, #tpu.memory_space<hbm>>) target(%dma_start3A_36 : memref<5120xi32, #tpu.memory_space<vmem>>) target_semaphore(%run_scoped3A : memref<!tpu.dma_semaphore, #tpu.memory_space<semaphore_mem>>)
        %dma_wait3A = arith.constant 0 : i32
        %dma_wait3A_38 = tpu.memref_slice %arg11[%dma_wait3A] : memref<5120xi32, #tpu.memory_space<vmem>> -> memref<5120xi32, #tpu.memory_space<vmem>>
        %dma_wait3A_39 = tpu.memref_slice %arg7[%mul3A_7] : memref<163840xi32, #tpu.memory_space<hbm>> -> memref<5120xi32, #tpu.memory_space<hbm>>
        %dma_wait3A_40 = arith.constant 0 : i32
        %dma_wait3A_41 = tpu.memref_slice %arg11[%dma_wait3A_40] : memref<5120xi32, #tpu.memory_space<vmem>> -> memref<5120xi32, #tpu.memory_space<vmem>>
        %dma_wait3A_42 = tpu.memref_slice %arg7[%mul3A_7] : memref<163840xi32, #tpu.memory_space<hbm>> -> memref<5120xi32, #tpu.memory_space<hbm>>
        tpu.wait_dma2 semaphore(%run_scoped3A : memref<!tpu.dma_semaphore, #tpu.memory_space<semaphore_mem>>) src(%dma_wait3A_42 : memref<5120xi32, #tpu.memory_space<hbm>>) dst(%dma_wait3A_41 : memref<5120xi32, #tpu.memory_space<vmem>>)
        tpu.yield
      }) : () -> ()
      %dma_start3A = arith.constant 0 : i32
      %dma_start3A_8 = tpu.memref_slice %arg10[%dma_start3A] : memref<5120xi32, #tpu.memory_space<vmem>> -> memref<128xi32, #tpu.memory_space<vmem>>
      %dma_start3A_9 = arith.constant 0 : i32
      %dma_start3A_10 = arith.constant 0 : i32
      %dma_start3A_11 = tpu.memref_slice %arg2[%dma_start3A_9, %dma_start3A_10] : memref<10000x128xi32, #tpu.memory_space<hbm>> -> memref<10000x128xi32, #tpu.memory_space<hbm>>
      tpu.enqueue_indirect_dma source(%dma_start3A_11 : memref<10000x128xi32, #tpu.memory_space<hbm>>) target(%arg12 : memref<128x128xi32, #tpu.memory_space<vmem>>) offsets(%dma_start3A_8 : memref<128xi32, #tpu.memory_space<vmem>>) semaphore(%arg16 : memref<!tpu.dma_semaphore, #tpu.memory_space<semaphore_mem>>)
      %dma_start3A_12 = arith.constant 0 : i32
      %dma_start3A_13 = tpu.memref_slice %arg11[%dma_start3A_12] : memref<5120xi32, #tpu.memory_space<vmem>> -> memref<128xi32, #tpu.memory_space<vmem>>
      %dma_start3A_14 = arith.constant 0 : i32
      %dma_start3A_15 = arith.constant 0 : i32
      %dma_start3A_16 = tpu.memref_slice %arg3[%dma_start3A_14, %dma_start3A_15] : memref<10000x128xi32, #tpu.memory_space<hbm>> -> memref<10000x128xi32, #tpu.memory_space<hbm>>
      tpu.enqueue_indirect_dma source(%dma_start3A_16 : memref<10000x128xi32, #tpu.memory_space<hbm>>) target(%arg13 : memref<128x128xi32, #tpu.memory_space<vmem>>) offsets(%dma_start3A_13 : memref<128xi32, #tpu.memory_space<vmem>>) semaphore(%arg17 : memref<!tpu.dma_semaphore, #tpu.memory_space<semaphore_mem>>)
      %dma_start3A_17 = arith.constant 128 : i32
      %dma_start3A_18 = tpu.memref_slice %arg10[%dma_start3A_17] : memref<5120xi32, #tpu.memory_space<vmem>> -> memref<128xi32, #tpu.memory_space<vmem>>
      %dma_start3A_19 = arith.constant 0 : i32
      %dma_start3A_20 = arith.constant 0 : i32
      %dma_start3A_21 = tpu.memref_slice %arg2[%dma_start3A_19, %dma_start3A_20] : memref<10000x128xi32, #tpu.memory_space<hbm>> -> memref<10000x128xi32, #tpu.memory_space<hbm>>
      tpu.enqueue_indirect_dma source(%dma_start3A_21 : memref<10000x128xi32, #tpu.memory_space<hbm>>) target(%arg14 : memref<128x128xi32, #tpu.memory_space<vmem>>) offsets(%dma_start3A_18 : memref<128xi32, #tpu.memory_space<vmem>>) semaphore(%arg18 : memref<!tpu.dma_semaphore, #tpu.memory_space<semaphore_mem>>)
      %dma_start3A_22 = arith.constant 128 : i32
      %dma_start3A_23 = tpu.memref_slice %arg11[%dma_start3A_22] : memref<5120xi32, #tpu.memory_space<vmem>> -> memref<128xi32, #tpu.memory_space<vmem>>
      %dma_start3A_24 = arith.constant 0 : i32
      %dma_start3A_25 = arith.constant 0 : i32
      %dma_start3A_26 = tpu.memref_slice %arg3[%dma_start3A_24, %dma_start3A_25] : memref<10000x128xi32, #tpu.memory_space<hbm>> -> memref<10000x128xi32, #tpu.memory_space<hbm>>
      tpu.enqueue_indirect_dma source(%dma_start3A_26 : memref<10000x128xi32, #tpu.memory_space<hbm>>) target(%arg15 : memref<128x128xi32, #tpu.memory_space<vmem>>) offsets(%dma_start3A_23 : memref<128xi32, #tpu.memory_space<vmem>>) semaphore(%arg19 : memref<!tpu.dma_semaphore, #tpu.memory_space<semaphore_mem>>)
      %scan3A = arith.constant 0 : i32
      %scan3A_27 = arith.constant 0 : i32
      %scan3A_28 = arith.constant 20 : i32
      %scan3A_29 = arith.addi %scan3A_27, %scan3A_28 : i32
      %scan3A_30 = arith.constant 1 : i32
      scf.for %scan3A_32 = %scan3A_27 to %scan3A_29 step %scan3A_30  : i32 {
        %mul3A_33 = arith.constant 2 : i32
        %mul3A_34 = arith.muli %mul3A_33, %scan3A_32 : i32
        %add3A = arith.constant 0 : i32
        %add3A_35 = arith.addi %mul3A_34, %add3A : i32
        %lt3A = arith.constant 40 : i32
        %lt3A_36 = arith.cmpi slt, %add3A_35, %lt3A : i32
        %convert_element_type3A_37 = arith.extui %lt3A_36 : i1 to i32
        %cond3A_38 = arith.constant 0 : i32
        %cond3A_39 = arith.cmpi ne, %convert_element_type3A_37, %cond3A_38 : i32
        scf.if %cond3A_39 {
          %mul3A_63 = arith.constant 128 : i32
          %mul3A_64 = arith.muli %add3A_35, %mul3A_63 : i32
          %dma_wait3A = tpu.memref_slice %arg10[%mul3A_64] : memref<5120xi32, #tpu.memory_space<vmem>> -> memref<128xi32, #tpu.memory_space<vmem>>
          %dma_wait3A_65 = arith.constant 0 : i32
          %dma_wait3A_66 = arith.constant 0 : i32
          %dma_wait3A_67 = tpu.memref_slice %arg2[%dma_wait3A_65, %dma_wait3A_66] : memref<10000x128xi32, #tpu.memory_space<hbm>> -> memref<10000x128xi32, #tpu.memory_space<hbm>>
          tpu.wait_indirect_dma semaphore(%arg16 : memref<!tpu.dma_semaphore, #tpu.memory_space<semaphore_mem>>) src(%dma_wait3A_67 : memref<10000x128xi32, #tpu.memory_space<hbm>>) dst(%arg12 : memref<128x128xi32, #tpu.memory_space<vmem>>)
          %dma_wait3A_68 = tpu.memref_slice %arg11[%mul3A_64] : memref<5120xi32, #tpu.memory_space<vmem>> -> memref<128xi32, #tpu.memory_space<vmem>>
          %dma_wait3A_69 = arith.constant 0 : i32
          %dma_wait3A_70 = arith.constant 0 : i32
          %dma_wait3A_71 = tpu.memref_slice %arg3[%dma_wait3A_69, %dma_wait3A_70] : memref<10000x128xi32, #tpu.memory_space<hbm>> -> memref<10000x128xi32, #tpu.memory_space<hbm>>
          tpu.wait_indirect_dma semaphore(%arg17 : memref<!tpu.dma_semaphore, #tpu.memory_space<semaphore_mem>>) src(%dma_wait3A_71 : memref<10000x128xi32, #tpu.memory_space<hbm>>) dst(%arg13 : memref<128x128xi32, #tpu.memory_space<vmem>>)
          %mul3A_72 = arith.constant 128 : i32
          %mul3A_73 = arith.muli %add3A_35, %mul3A_72 : i32
          %add3A_74 = arith.addi %mul3A_7, %mul3A_73 : i32
          "tpu.region"() ({
            %run_scoped3A = tpu.sem_alloc : memref<!tpu.dma_semaphore, #tpu.memory_space<semaphore_mem>>
            %dma_start3A_75 = arith.constant 0 : i32
            %dma_start3A_76 = tpu.memref_slice %arg8[%add3A_74, %dma_start3A_75] : memref<163840x128xi32, #tpu.memory_space<hbm>> -> memref<128x128xi32, #tpu.memory_space<hbm>>
            %dma_start3A_77 = arith.constant 0 : i32
            %dma_start3A_78 = tpu.memref_slice %arg8[%add3A_74, %dma_start3A_77] : memref<163840x128xi32, #tpu.memory_space<hbm>> -> memref<128x128xi32, #tpu.memory_space<hbm>>
            tpu.enqueue_dma source(%arg12 : memref<128x128xi32, #tpu.memory_space<vmem>>) target(%dma_start3A_78 : memref<128x128xi32, #tpu.memory_space<hbm>>) target_semaphore(%run_scoped3A : memref<!tpu.dma_semaphore, #tpu.memory_space<semaphore_mem>>)
            %dma_wait3A_79 = arith.constant 0 : i32
            %dma_wait3A_80 = tpu.memref_slice %arg8[%add3A_74, %dma_wait3A_79] : memref<163840x128xi32, #tpu.memory_space<hbm>> -> memref<128x128xi32, #tpu.memory_space<hbm>>
            %dma_wait3A_81 = arith.constant 0 : i32
            %dma_wait3A_82 = tpu.memref_slice %arg8[%add3A_74, %dma_wait3A_81] : memref<163840x128xi32, #tpu.memory_space<hbm>> -> memref<128x128xi32, #tpu.memory_space<hbm>>
            tpu.wait_dma2 semaphore(%run_scoped3A : memref<!tpu.dma_semaphore, #tpu.memory_space<semaphore_mem>>) src(%arg12 : memref<128x128xi32, #tpu.memory_space<vmem>>) dst(%dma_wait3A_82 : memref<128x128xi32, #tpu.memory_space<hbm>>)
            tpu.yield
          }) : () -> ()
          "tpu.region"() ({
            %run_scoped3A = tpu.sem_alloc : memref<!tpu.dma_semaphore, #tpu.memory_space<semaphore_mem>>
            %dma_start3A_75 = arith.constant 0 : i32
            %dma_start3A_76 = tpu.memref_slice %arg9[%add3A_74, %dma_start3A_75] : memref<163840x128xi32, #tpu.memory_space<hbm>> -> memref<128x128xi32, #tpu.memory_space<hbm>>
            %dma_start3A_77 = arith.constant 0 : i32
            %dma_start3A_78 = tpu.memref_slice %arg9[%add3A_74, %dma_start3A_77] : memref<163840x128xi32, #tpu.memory_space<hbm>> -> memref<128x128xi32, #tpu.memory_space<hbm>>
            tpu.enqueue_dma source(%arg13 : memref<128x128xi32, #tpu.memory_space<vmem>>) target(%dma_start3A_78 : memref<128x128xi32, #tpu.memory_space<hbm>>) target_semaphore(%run_scoped3A : memref<!tpu.dma_semaphore, #tpu.memory_space<semaphore_mem>>)
            %dma_wait3A_79 = arith.constant 0 : i32
            %dma_wait3A_80 = tpu.memref_slice %arg9[%add3A_74, %dma_wait3A_79] : memref<163840x128xi32, #tpu.memory_space<hbm>> -> memref<128x128xi32, #tpu.memory_space<hbm>>
            %dma_wait3A_81 = arith.constant 0 : i32
            %dma_wait3A_82 = tpu.memref_slice %arg9[%add3A_74, %dma_wait3A_81] : memref<163840x128xi32, #tpu.memory_space<hbm>> -> memref<128x128xi32, #tpu.memory_space<hbm>>
            tpu.wait_dma2 semaphore(%run_scoped3A : memref<!tpu.dma_semaphore, #tpu.memory_space<semaphore_mem>>) src(%arg13 : memref<128x128xi32, #tpu.memory_space<vmem>>) dst(%dma_wait3A_82 : memref<128x128xi32, #tpu.memory_space<hbm>>)
            tpu.yield
          }) : () -> ()
        } else {
        }
        %add3A_40 = arith.constant 2 : i32
        %add3A_41 = arith.addi %add3A_35, %add3A_40 : i32
        %lt3A_42 = arith.constant 40 : i32
        %lt3A_43 = arith.cmpi slt, %add3A_41, %lt3A_42 : i32
        %convert_element_type3A_44 = arith.extui %lt3A_43 : i1 to i32
        %cond3A_45 = arith.constant 0 : i32
        %cond3A_46 = arith.cmpi ne, %convert_element_type3A_44, %cond3A_45 : i32
        scf.if %cond3A_46 {
          %add3A_63 = arith.constant 2 : i32
          %add3A_64 = arith.addi %add3A_35, %add3A_63 : i32
          %mul3A_65 = arith.constant 128 : i32
          %mul3A_66 = arith.muli %add3A_64, %mul3A_65 : i32
          %dma_start3A_67 = tpu.memref_slice %arg10[%mul3A_66] : memref<5120xi32, #tpu.memory_space<vmem>> -> memref<128xi32, #tpu.memory_space<vmem>>
          %dma_start3A_68 = arith.constant 0 : i32
          %dma_start3A_69 = arith.constant 0 : i32
          %dma_start3A_70 = tpu.memref_slice %arg2[%dma_start3A_68, %dma_start3A_69] : memref<10000x128xi32, #tpu.memory_space<hbm>> -> memref<10000x128xi32, #tpu.memory_space<hbm>>
          tpu.enqueue_indirect_dma source(%dma_start3A_70 : memref<10000x128xi32, #tpu.memory_space<hbm>>) target(%arg12 : memref<128x128xi32, #tpu.memory_space<vmem>>) offsets(%dma_start3A_67 : memref<128xi32, #tpu.memory_space<vmem>>) semaphore(%arg16 : memref<!tpu.dma_semaphore, #tpu.memory_space<semaphore_mem>>)
          %dma_start3A_71 = tpu.memref_slice %arg11[%mul3A_66] : memref<5120xi32, #tpu.memory_space<vmem>> -> memref<128xi32, #tpu.memory_space<vmem>>
          %dma_start3A_72 = arith.constant 0 : i32
          %dma_start3A_73 = arith.constant 0 : i32
          %dma_start3A_74 = tpu.memref_slice %arg3[%dma_start3A_72, %dma_start3A_73] : memref<10000x128xi32, #tpu.memory_space<hbm>> -> memref<10000x128xi32, #tpu.memory_space<hbm>>
          tpu.enqueue_indirect_dma source(%dma_start3A_74 : memref<10000x128xi32, #tpu.memory_space<hbm>>) target(%arg13 : memref<128x128xi32, #tpu.memory_space<vmem>>) offsets(%dma_start3A_71 : memref<128xi32, #tpu.memory_space<vmem>>) semaphore(%arg17 : memref<!tpu.dma_semaphore, #tpu.memory_space<semaphore_mem>>)
        } else {
        }
        %mul3A_47 = arith.constant 2 : i32
        %mul3A_48 = arith.muli %mul3A_47, %scan3A_32 : i32
        %add3A_49 = arith.constant 1 : i32
        %add3A_50 = arith.addi %mul3A_48, %add3A_49 : i32
        %lt3A_51 = arith.constant 40 : i32
        %lt3A_52 = arith.cmpi slt, %add3A_50, %lt3A_51 : i32
        %convert_element_type3A_53 = arith.extui %lt3A_52 : i1 to i32
        %cond3A_54 = arith.constant 0 : i32
        %cond3A_55 = arith.cmpi ne, %convert_element_type3A_53, %cond3A_54 : i32
        scf.if %cond3A_55 {
          %mul3A_63 = arith.constant 128 : i32
          %mul3A_64 = arith.muli %add3A_50, %mul3A_63 : i32
          %dma_wait3A = tpu.memref_slice %arg10[%mul3A_64] : memref<5120xi32, #tpu.memory_space<vmem>> -> memref<128xi32, #tpu.memory_space<vmem>>
          %dma_wait3A_65 = arith.constant 0 : i32
          %dma_wait3A_66 = arith.constant 0 : i32
          %dma_wait3A_67 = tpu.memref_slice %arg2[%dma_wait3A_65, %dma_wait3A_66] : memref<10000x128xi32, #tpu.memory_space<hbm>> -> memref<10000x128xi32, #tpu.memory_space<hbm>>
          tpu.wait_indirect_dma semaphore(%arg18 : memref<!tpu.dma_semaphore, #tpu.memory_space<semaphore_mem>>) src(%dma_wait3A_67 : memref<10000x128xi32, #tpu.memory_space<hbm>>) dst(%arg14 : memref<128x128xi32, #tpu.memory_space<vmem>>)
          %dma_wait3A_68 = tpu.memref_slice %arg11[%mul3A_64] : memref<5120xi32, #tpu.memory_space<vmem>> -> memref<128xi32, #tpu.memory_space<vmem>>
          %dma_wait3A_69 = arith.constant 0 : i32
          %dma_wait3A_70 = arith.constant 0 : i32
          %dma_wait3A_71 = tpu.memref_slice %arg3[%dma_wait3A_69, %dma_wait3A_70] : memref<10000x128xi32, #tpu.memory_space<hbm>> -> memref<10000x128xi32, #tpu.memory_space<hbm>>
          tpu.wait_indirect_dma semaphore(%arg19 : memref<!tpu.dma_semaphore, #tpu.memory_space<semaphore_mem>>) src(%dma_wait3A_71 : memref<10000x128xi32, #tpu.memory_space<hbm>>) dst(%arg15 : memref<128x128xi32, #tpu.memory_space<vmem>>)
          %mul3A_72 = arith.constant 128 : i32
          %mul3A_73 = arith.muli %add3A_50, %mul3A_72 : i32
          %add3A_74 = arith.addi %mul3A_7, %mul3A_73 : i32
          "tpu.region"() ({
            %run_scoped3A = tpu.sem_alloc : memref<!tpu.dma_semaphore, #tpu.memory_space<semaphore_mem>>
            %dma_start3A_75 = arith.constant 0 : i32
            %dma_start3A_76 = tpu.memref_slice %arg8[%add3A_74, %dma_start3A_75] : memref<163840x128xi32, #tpu.memory_space<hbm>> -> memref<128x128xi32, #tpu.memory_space<hbm>>
            %dma_start3A_77 = arith.constant 0 : i32
            %dma_start3A_78 = tpu.memref_slice %arg8[%add3A_74, %dma_start3A_77] : memref<163840x128xi32, #tpu.memory_space<hbm>> -> memref<128x128xi32, #tpu.memory_space<hbm>>
            tpu.enqueue_dma source(%arg14 : memref<128x128xi32, #tpu.memory_space<vmem>>) target(%dma_start3A_78 : memref<128x128xi32, #tpu.memory_space<hbm>>) target_semaphore(%run_scoped3A : memref<!tpu.dma_semaphore, #tpu.memory_space<semaphore_mem>>)
            %dma_wait3A_79 = arith.constant 0 : i32
            %dma_wait3A_80 = tpu.memref_slice %arg8[%add3A_74, %dma_wait3A_79] : memref<163840x128xi32, #tpu.memory_space<hbm>> -> memref<128x128xi32, #tpu.memory_space<hbm>>
            %dma_wait3A_81 = arith.constant 0 : i32
            %dma_wait3A_82 = tpu.memref_slice %arg8[%add3A_74, %dma_wait3A_81] : memref<163840x128xi32, #tpu.memory_space<hbm>> -> memref<128x128xi32, #tpu.memory_space<hbm>>
            tpu.wait_dma2 semaphore(%run_scoped3A : memref<!tpu.dma_semaphore, #tpu.memory_space<semaphore_mem>>) src(%arg14 : memref<128x128xi32, #tpu.memory_space<vmem>>) dst(%dma_wait3A_82 : memref<128x128xi32, #tpu.memory_space<hbm>>)
            tpu.yield
          }) : () -> ()
          "tpu.region"() ({
            %run_scoped3A = tpu.sem_alloc : memref<!tpu.dma_semaphore, #tpu.memory_space<semaphore_mem>>
            %dma_start3A_75 = arith.constant 0 : i32
            %dma_start3A_76 = tpu.memref_slice %arg9[%add3A_74, %dma_start3A_75] : memref<163840x128xi32, #tpu.memory_space<hbm>> -> memref<128x128xi32, #tpu.memory_space<hbm>>
            %dma_start3A_77 = arith.constant 0 : i32
            %dma_start3A_78 = tpu.memref_slice %arg9[%add3A_74, %dma_start3A_77] : memref<163840x128xi32, #tpu.memory_space<hbm>> -> memref<128x128xi32, #tpu.memory_space<hbm>>
            tpu.enqueue_dma source(%arg15 : memref<128x128xi32, #tpu.memory_space<vmem>>) target(%dma_start3A_78 : memref<128x128xi32, #tpu.memory_space<hbm>>) target_semaphore(%run_scoped3A : memref<!tpu.dma_semaphore, #tpu.memory_space<semaphore_mem>>)
            %dma_wait3A_79 = arith.constant 0 : i32
            %dma_wait3A_80 = tpu.memref_slice %arg9[%add3A_74, %dma_wait3A_79] : memref<163840x128xi32, #tpu.memory_space<hbm>> -> memref<128x128xi32, #tpu.memory_space<hbm>>
            %dma_wait3A_81 = arith.constant 0 : i32
            %dma_wait3A_82 = tpu.memref_slice %arg9[%add3A_74, %dma_wait3A_81] : memref<163840x128xi32, #tpu.memory_space<hbm>> -> memref<128x128xi32, #tpu.memory_space<hbm>>
            tpu.wait_dma2 semaphore(%run_scoped3A : memref<!tpu.dma_semaphore, #tpu.memory_space<semaphore_mem>>) src(%arg15 : memref<128x128xi32, #tpu.memory_space<vmem>>) dst(%dma_wait3A_82 : memref<128x128xi32, #tpu.memory_space<hbm>>)
            tpu.yield
          }) : () -> ()
        } else {
        }
        %add3A_56 = arith.constant 2 : i32
        %add3A_57 = arith.addi %add3A_50, %add3A_56 : i32
        %lt3A_58 = arith.constant 40 : i32
        %lt3A_59 = arith.cmpi slt, %add3A_57, %lt3A_58 : i32
        %convert_element_type3A_60 = arith.extui %lt3A_59 : i1 to i32
        %cond3A_61 = arith.constant 0 : i32
        %cond3A_62 = arith.cmpi ne, %convert_element_type3A_60, %cond3A_61 : i32
        scf.if %cond3A_62 {
          %add3A_63 = arith.constant 2 : i32
          %add3A_64 = arith.addi %add3A_50, %add3A_63 : i32
          %mul3A_65 = arith.constant 128 : i32
          %mul3A_66 = arith.muli %add3A_64, %mul3A_65 : i32
          %dma_start3A_67 = tpu.memref_slice %arg10[%mul3A_66] : memref<5120xi32, #tpu.memory_space<vmem>> -> memref<128xi32, #tpu.memory_space<vmem>>
          %dma_start3A_68 = arith.constant 0 : i32
          %dma_start3A_69 = arith.constant 0 : i32
          %dma_start3A_70 = tpu.memref_slice %arg2[%dma_start3A_68, %dma_start3A_69] : memref<10000x128xi32, #tpu.memory_space<hbm>> -> memref<10000x128xi32, #tpu.memory_space<hbm>>
          tpu.enqueue_indirect_dma source(%dma_start3A_70 : memref<10000x128xi32, #tpu.memory_space<hbm>>) target(%arg14 : memref<128x128xi32, #tpu.memory_space<vmem>>) offsets(%dma_start3A_67 : memref<128xi32, #tpu.memory_space<vmem>>) semaphore(%arg18 : memref<!tpu.dma_semaphore, #tpu.memory_space<semaphore_mem>>)
          %dma_start3A_71 = tpu.memref_slice %arg11[%mul3A_66] : memref<5120xi32, #tpu.memory_space<vmem>> -> memref<128xi32, #tpu.memory_space<vmem>>
          %dma_start3A_72 = arith.constant 0 : i32
          %dma_start3A_73 = arith.constant 0 : i32
          %dma_start3A_74 = tpu.memref_slice %arg3[%dma_start3A_72, %dma_start3A_73] : memref<10000x128xi32, #tpu.memory_space<hbm>> -> memref<10000x128xi32, #tpu.memory_space<hbm>>
          tpu.enqueue_indirect_dma source(%dma_start3A_74 : memref<10000x128xi32, #tpu.memory_space<hbm>>) target(%arg15 : memref<128x128xi32, #tpu.memory_space<vmem>>) offsets(%dma_start3A_71 : memref<128xi32, #tpu.memory_space<vmem>>) semaphore(%arg19 : memref<!tpu.dma_semaphore, #tpu.memory_space<semaphore_mem>>)
        } else {
        }
      }
      %scan3A_31 = arith.constant 20 : i32
    } else {
    }
    %eq3A_2 = arith.constant 1 : i32
    %eq3A_3 = arith.cmpi eq, %arg0, %eq3A_2 : i32
    %convert_element_type3A_4 = arith.extui %eq3A_3 : i1 to i32
    %cond3A_5 = arith.constant 0 : i32
    %cond3A_6 = arith.cmpi ne, %convert_element_type3A_4, %cond3A_5 : i32
    scf.if %cond3A_6 {
      %mul3A = arith.constant 5120 : i32
      %mul3A_7 = arith.muli %arg1, %mul3A : i32
      %add3A = arith.constant 81920 : i32
      %add3A_8 = arith.addi %add3A, %mul3A_7 : i32
      "tpu.region"() ({
        %run_scoped3A = tpu.sem_alloc : memref<!tpu.dma_semaphore, #tpu.memory_space<semaphore_mem>>
        %dma_start3A_33 = arith.constant 0 : i32
        %dma_start3A_34 = tpu.memref_slice %arg10[%dma_start3A_33] : memref<5120xi32, #tpu.memory_space<vmem>> -> memref<5120xi32, #tpu.memory_space<vmem>>
        %dma_start3A_35 = tpu.memref_slice %arg6[%add3A_8] : memref<163840xi32, #tpu.memory_space<hbm>> -> memref<5120xi32, #tpu.memory_space<hbm>>
        %dma_start3A_36 = arith.constant 0 : i32
        %dma_start3A_37 = tpu.memref_slice %arg10[%dma_start3A_36] : memref<5120xi32, #tpu.memory_space<vmem>> -> memref<5120xi32, #tpu.memory_space<vmem>>
        %dma_start3A_38 = tpu.memref_slice %arg6[%add3A_8] : memref<163840xi32, #tpu.memory_space<hbm>> -> memref<5120xi32, #tpu.memory_space<hbm>>
        tpu.enqueue_dma source(%dma_start3A_38 : memref<5120xi32, #tpu.memory_space<hbm>>) target(%dma_start3A_37 : memref<5120xi32, #tpu.memory_space<vmem>>) target_semaphore(%run_scoped3A : memref<!tpu.dma_semaphore, #tpu.memory_space<semaphore_mem>>)
        %dma_wait3A = arith.constant 0 : i32
        %dma_wait3A_39 = tpu.memref_slice %arg10[%dma_wait3A] : memref<5120xi32, #tpu.memory_space<vmem>> -> memref<5120xi32, #tpu.memory_space<vmem>>
        %dma_wait3A_40 = tpu.memref_slice %arg6[%add3A_8] : memref<163840xi32, #tpu.memory_space<hbm>> -> memref<5120xi32, #tpu.memory_space<hbm>>
        %dma_wait3A_41 = arith.constant 0 : i32
        %dma_wait3A_42 = tpu.memref_slice %arg10[%dma_wait3A_41] : memref<5120xi32, #tpu.memory_space<vmem>> -> memref<5120xi32, #tpu.memory_space<vmem>>
        %dma_wait3A_43 = tpu.memref_slice %arg6[%add3A_8] : memref<163840xi32, #tpu.memory_space<hbm>> -> memref<5120xi32, #tpu.memory_space<hbm>>
        tpu.wait_dma2 semaphore(%run_scoped3A : memref<!tpu.dma_semaphore, #tpu.memory_space<semaphore_mem>>) src(%dma_wait3A_43 : memref<5120xi32, #tpu.memory_space<hbm>>) dst(%dma_wait3A_42 : memref<5120xi32, #tpu.memory_space<vmem>>)
        tpu.yield
      }) : () -> ()
      "tpu.region"() ({
        %run_scoped3A = tpu.sem_alloc : memref<!tpu.dma_semaphore, #tpu.memory_space<semaphore_mem>>
        %dma_start3A_33 = arith.constant 0 : i32
        %dma_start3A_34 = tpu.memref_slice %arg11[%dma_start3A_33] : memref<5120xi32, #tpu.memory_space<vmem>> -> memref<5120xi32, #tpu.memory_space<vmem>>
        %dma_start3A_35 = tpu.memref_slice %arg7[%add3A_8] : memref<163840xi32, #tpu.memory_space<hbm>> -> memref<5120xi32, #tpu.memory_space<hbm>>
        %dma_start3A_36 = arith.constant 0 : i32
        %dma_start3A_37 = tpu.memref_slice %arg11[%dma_start3A_36] : memref<5120xi32, #tpu.memory_space<vmem>> -> memref<5120xi32, #tpu.memory_space<vmem>>
        %dma_start3A_38 = tpu.memref_slice %arg7[%add3A_8] : memref<163840xi32, #tpu.memory_space<hbm>> -> memref<5120xi32, #tpu.memory_space<hbm>>
        tpu.enqueue_dma source(%dma_start3A_38 : memref<5120xi32, #tpu.memory_space<hbm>>) target(%dma_start3A_37 : memref<5120xi32, #tpu.memory_space<vmem>>) target_semaphore(%run_scoped3A : memref<!tpu.dma_semaphore, #tpu.memory_space<semaphore_mem>>)
        %dma_wait3A = arith.constant 0 : i32
        %dma_wait3A_39 = tpu.memref_slice %arg11[%dma_wait3A] : memref<5120xi32, #tpu.memory_space<vmem>> -> memref<5120xi32, #tpu.memory_space<vmem>>
        %dma_wait3A_40 = tpu.memref_slice %arg7[%add3A_8] : memref<163840xi32, #tpu.memory_space<hbm>> -> memref<5120xi32, #tpu.memory_space<hbm>>
        %dma_wait3A_41 = arith.constant 0 : i32
        %dma_wait3A_42 = tpu.memref_slice %arg11[%dma_wait3A_41] : memref<5120xi32, #tpu.memory_space<vmem>> -> memref<5120xi32, #tpu.memory_space<vmem>>
        %dma_wait3A_43 = tpu.memref_slice %arg7[%add3A_8] : memref<163840xi32, #tpu.memory_space<hbm>> -> memref<5120xi32, #tpu.memory_space<hbm>>
        tpu.wait_dma2 semaphore(%run_scoped3A : memref<!tpu.dma_semaphore, #tpu.memory_space<semaphore_mem>>) src(%dma_wait3A_43 : memref<5120xi32, #tpu.memory_space<hbm>>) dst(%dma_wait3A_42 : memref<5120xi32, #tpu.memory_space<vmem>>)
        tpu.yield
      }) : () -> ()
      %dma_start3A = arith.constant 0 : i32
      %dma_start3A_9 = tpu.memref_slice %arg10[%dma_start3A] : memref<5120xi32, #tpu.memory_space<vmem>> -> memref<128xi32, #tpu.memory_space<vmem>>
      %dma_start3A_10 = arith.constant 0 : i32
      %dma_start3A_11 = arith.constant 0 : i32
      %dma_start3A_12 = tpu.memref_slice %arg4[%dma_start3A_10, %dma_start3A_11] : memref<10000x128xi32, #tpu.memory_space<hbm>> -> memref<10000x128xi32, #tpu.memory_space<hbm>>
      tpu.enqueue_indirect_dma source(%dma_start3A_12 : memref<10000x128xi32, #tpu.memory_space<hbm>>) target(%arg12 : memref<128x128xi32, #tpu.memory_space<vmem>>) offsets(%dma_start3A_9 : memref<128xi32, #tpu.memory_space<vmem>>) semaphore(%arg16 : memref<!tpu.dma_semaphore, #tpu.memory_space<semaphore_mem>>)
      %dma_start3A_13 = arith.constant 0 : i32
      %dma_start3A_14 = tpu.memref_slice %arg11[%dma_start3A_13] : memref<5120xi32, #tpu.memory_space<vmem>> -> memref<128xi32, #tpu.memory_space<vmem>>
      %dma_start3A_15 = arith.constant 0 : i32
      %dma_start3A_16 = arith.constant 0 : i32
      %dma_start3A_17 = tpu.memref_slice %arg5[%dma_start3A_15, %dma_start3A_16] : memref<10000x128xi32, #tpu.memory_space<hbm>> -> memref<10000x128xi32, #tpu.memory_space<hbm>>
      tpu.enqueue_indirect_dma source(%dma_start3A_17 : memref<10000x128xi32, #tpu.memory_space<hbm>>) target(%arg13 : memref<128x128xi32, #tpu.memory_space<vmem>>) offsets(%dma_start3A_14 : memref<128xi32, #tpu.memory_space<vmem>>) semaphore(%arg17 : memref<!tpu.dma_semaphore, #tpu.memory_space<semaphore_mem>>)
      %dma_start3A_18 = arith.constant 128 : i32
      %dma_start3A_19 = tpu.memref_slice %arg10[%dma_start3A_18] : memref<5120xi32, #tpu.memory_space<vmem>> -> memref<128xi32, #tpu.memory_space<vmem>>
      %dma_start3A_20 = arith.constant 0 : i32
      %dma_start3A_21 = arith.constant 0 : i32
      %dma_start3A_22 = tpu.memref_slice %arg4[%dma_start3A_20, %dma_start3A_21] : memref<10000x128xi32, #tpu.memory_space<hbm>> -> memref<10000x128xi32, #tpu.memory_space<hbm>>
      tpu.enqueue_indirect_dma source(%dma_start3A_22 : memref<10000x128xi32, #tpu.memory_space<hbm>>) target(%arg14 : memref<128x128xi32, #tpu.memory_space<vmem>>) offsets(%dma_start3A_19 : memref<128xi32, #tpu.memory_space<vmem>>) semaphore(%arg18 : memref<!tpu.dma_semaphore, #tpu.memory_space<semaphore_mem>>)
      %dma_start3A_23 = arith.constant 128 : i32
      %dma_start3A_24 = tpu.memref_slice %arg11[%dma_start3A_23] : memref<5120xi32, #tpu.memory_space<vmem>> -> memref<128xi32, #tpu.memory_space<vmem>>
      %dma_start3A_25 = arith.constant 0 : i32
      %dma_start3A_26 = arith.constant 0 : i32
      %dma_start3A_27 = tpu.memref_slice %arg5[%dma_start3A_25, %dma_start3A_26] : memref<10000x128xi32, #tpu.memory_space<hbm>> -> memref<10000x128xi32, #tpu.memory_space<hbm>>
      tpu.enqueue_indirect_dma source(%dma_start3A_27 : memref<10000x128xi32, #tpu.memory_space<hbm>>) target(%arg15 : memref<128x128xi32, #tpu.memory_space<vmem>>) offsets(%dma_start3A_24 : memref<128xi32, #tpu.memory_space<vmem>>) semaphore(%arg19 : memref<!tpu.dma_semaphore, #tpu.memory_space<semaphore_mem>>)
      %scan3A = arith.constant 0 : i32
      %scan3A_28 = arith.constant 0 : i32
      %scan3A_29 = arith.constant 20 : i32
      %scan3A_30 = arith.addi %scan3A_28, %scan3A_29 : i32
      %scan3A_31 = arith.constant 1 : i32
      scf.for %scan3A_33 = %scan3A_28 to %scan3A_30 step %scan3A_31  : i32 {
        %mul3A_34 = arith.constant 2 : i32
        %mul3A_35 = arith.muli %mul3A_34, %scan3A_33 : i32
        %add3A_36 = arith.constant 0 : i32
        %add3A_37 = arith.addi %mul3A_35, %add3A_36 : i32
        %lt3A = arith.constant 40 : i32
        %lt3A_38 = arith.cmpi slt, %add3A_37, %lt3A : i32
        %convert_element_type3A_39 = arith.extui %lt3A_38 : i1 to i32
        %cond3A_40 = arith.constant 0 : i32
        %cond3A_41 = arith.cmpi ne, %convert_element_type3A_39, %cond3A_40 : i32
        scf.if %cond3A_41 {
          %mul3A_65 = arith.constant 128 : i32
          %mul3A_66 = arith.muli %add3A_37, %mul3A_65 : i32
          %dma_wait3A = tpu.memref_slice %arg10[%mul3A_66] : memref<5120xi32, #tpu.memory_space<vmem>> -> memref<128xi32, #tpu.memory_space<vmem>>
          %dma_wait3A_67 = arith.constant 0 : i32
          %dma_wait3A_68 = arith.constant 0 : i32
          %dma_wait3A_69 = tpu.memref_slice %arg4[%dma_wait3A_67, %dma_wait3A_68] : memref<10000x128xi32, #tpu.memory_space<hbm>> -> memref<10000x128xi32, #tpu.memory_space<hbm>>
          tpu.wait_indirect_dma semaphore(%arg16 : memref<!tpu.dma_semaphore, #tpu.memory_space<semaphore_mem>>) src(%dma_wait3A_69 : memref<10000x128xi32, #tpu.memory_space<hbm>>) dst(%arg12 : memref<128x128xi32, #tpu.memory_space<vmem>>)
          %dma_wait3A_70 = tpu.memref_slice %arg11[%mul3A_66] : memref<5120xi32, #tpu.memory_space<vmem>> -> memref<128xi32, #tpu.memory_space<vmem>>
          %dma_wait3A_71 = arith.constant 0 : i32
          %dma_wait3A_72 = arith.constant 0 : i32
          %dma_wait3A_73 = tpu.memref_slice %arg5[%dma_wait3A_71, %dma_wait3A_72] : memref<10000x128xi32, #tpu.memory_space<hbm>> -> memref<10000x128xi32, #tpu.memory_space<hbm>>
          tpu.wait_indirect_dma semaphore(%arg17 : memref<!tpu.dma_semaphore, #tpu.memory_space<semaphore_mem>>) src(%dma_wait3A_73 : memref<10000x128xi32, #tpu.memory_space<hbm>>) dst(%arg13 : memref<128x128xi32, #tpu.memory_space<vmem>>)
          %mul3A_74 = arith.constant 128 : i32
          %mul3A_75 = arith.muli %add3A_37, %mul3A_74 : i32
          %add3A_76 = arith.addi %add3A_8, %mul3A_75 : i32
          "tpu.region"() ({
            %run_scoped3A = tpu.sem_alloc : memref<!tpu.dma_semaphore, #tpu.memory_space<semaphore_mem>>
            %dma_start3A_77 = arith.constant 0 : i32
            %dma_start3A_78 = tpu.memref_slice %arg8[%add3A_76, %dma_start3A_77] : memref<163840x128xi32, #tpu.memory_space<hbm>> -> memref<128x128xi32, #tpu.memory_space<hbm>>
            %dma_start3A_79 = arith.constant 0 : i32
            %dma_start3A_80 = tpu.memref_slice %arg8[%add3A_76, %dma_start3A_79] : memref<163840x128xi32, #tpu.memory_space<hbm>> -> memref<128x128xi32, #tpu.memory_space<hbm>>
            tpu.enqueue_dma source(%arg12 : memref<128x128xi32, #tpu.memory_space<vmem>>) target(%dma_start3A_80 : memref<128x128xi32, #tpu.memory_space<hbm>>) target_semaphore(%run_scoped3A : memref<!tpu.dma_semaphore, #tpu.memory_space<semaphore_mem>>)
            %dma_wait3A_81 = arith.constant 0 : i32
            %dma_wait3A_82 = tpu.memref_slice %arg8[%add3A_76, %dma_wait3A_81] : memref<163840x128xi32, #tpu.memory_space<hbm>> -> memref<128x128xi32, #tpu.memory_space<hbm>>
            %dma_wait3A_83 = arith.constant 0 : i32
            %dma_wait3A_84 = tpu.memref_slice %arg8[%add3A_76, %dma_wait3A_83] : memref<163840x128xi32, #tpu.memory_space<hbm>> -> memref<128x128xi32, #tpu.memory_space<hbm>>
            tpu.wait_dma2 semaphore(%run_scoped3A : memref<!tpu.dma_semaphore, #tpu.memory_space<semaphore_mem>>) src(%arg12 : memref<128x128xi32, #tpu.memory_space<vmem>>) dst(%dma_wait3A_84 : memref<128x128xi32, #tpu.memory_space<hbm>>)
            tpu.yield
          }) : () -> ()
          "tpu.region"() ({
            %run_scoped3A = tpu.sem_alloc : memref<!tpu.dma_semaphore, #tpu.memory_space<semaphore_mem>>
            %dma_start3A_77 = arith.constant 0 : i32
            %dma_start3A_78 = tpu.memref_slice %arg9[%add3A_76, %dma_start3A_77] : memref<163840x128xi32, #tpu.memory_space<hbm>> -> memref<128x128xi32, #tpu.memory_space<hbm>>
            %dma_start3A_79 = arith.constant 0 : i32
            %dma_start3A_80 = tpu.memref_slice %arg9[%add3A_76, %dma_start3A_79] : memref<163840x128xi32, #tpu.memory_space<hbm>> -> memref<128x128xi32, #tpu.memory_space<hbm>>
            tpu.enqueue_dma source(%arg13 : memref<128x128xi32, #tpu.memory_space<vmem>>) target(%dma_start3A_80 : memref<128x128xi32, #tpu.memory_space<hbm>>) target_semaphore(%run_scoped3A : memref<!tpu.dma_semaphore, #tpu.memory_space<semaphore_mem>>)
            %dma_wait3A_81 = arith.constant 0 : i32
            %dma_wait3A_82 = tpu.memref_slice %arg9[%add3A_76, %dma_wait3A_81] : memref<163840x128xi32, #tpu.memory_space<hbm>> -> memref<128x128xi32, #tpu.memory_space<hbm>>
            %dma_wait3A_83 = arith.constant 0 : i32
            %dma_wait3A_84 = tpu.memref_slice %arg9[%add3A_76, %dma_wait3A_83] : memref<163840x128xi32, #tpu.memory_space<hbm>> -> memref<128x128xi32, #tpu.memory_space<hbm>>
            tpu.wait_dma2 semaphore(%run_scoped3A : memref<!tpu.dma_semaphore, #tpu.memory_space<semaphore_mem>>) src(%arg13 : memref<128x128xi32, #tpu.memory_space<vmem>>) dst(%dma_wait3A_84 : memref<128x128xi32, #tpu.memory_space<hbm>>)
            tpu.yield
          }) : () -> ()
        } else {
        }
        %add3A_42 = arith.constant 2 : i32
        %add3A_43 = arith.addi %add3A_37, %add3A_42 : i32
        %lt3A_44 = arith.constant 40 : i32
        %lt3A_45 = arith.cmpi slt, %add3A_43, %lt3A_44 : i32
        %convert_element_type3A_46 = arith.extui %lt3A_45 : i1 to i32
        %cond3A_47 = arith.constant 0 : i32
        %cond3A_48 = arith.cmpi ne, %convert_element_type3A_46, %cond3A_47 : i32
        scf.if %cond3A_48 {
          %add3A_65 = arith.constant 2 : i32
          %add3A_66 = arith.addi %add3A_37, %add3A_65 : i32
          %mul3A_67 = arith.constant 128 : i32
          %mul3A_68 = arith.muli %add3A_66, %mul3A_67 : i32
          %dma_start3A_69 = tpu.memref_slice %arg10[%mul3A_68] : memref<5120xi32, #tpu.memory_space<vmem>> -> memref<128xi32, #tpu.memory_space<vmem>>
          %dma_start3A_70 = arith.constant 0 : i32
          %dma_start3A_71 = arith.constant 0 : i32
          %dma_start3A_72 = tpu.memref_slice %arg4[%dma_start3A_70, %dma_start3A_71] : memref<10000x128xi32, #tpu.memory_space<hbm>> -> memref<10000x128xi32, #tpu.memory_space<hbm>>
          tpu.enqueue_indirect_dma source(%dma_start3A_72 : memref<10000x128xi32, #tpu.memory_space<hbm>>) target(%arg12 : memref<128x128xi32, #tpu.memory_space<vmem>>) offsets(%dma_start3A_69 : memref<128xi32, #tpu.memory_space<vmem>>) semaphore(%arg16 : memref<!tpu.dma_semaphore, #tpu.memory_space<semaphore_mem>>)
          %dma_start3A_73 = tpu.memref_slice %arg11[%mul3A_68] : memref<5120xi32, #tpu.memory_space<vmem>> -> memref<128xi32, #tpu.memory_space<vmem>>
          %dma_start3A_74 = arith.constant 0 : i32
          %dma_start3A_75 = arith.constant 0 : i32
          %dma_start3A_76 = tpu.memref_slice %arg5[%dma_start3A_74, %dma_start3A_75] : memref<10000x128xi32, #tpu.memory_space<hbm>> -> memref<10000x128xi32, #tpu.memory_space<hbm>>
          tpu.enqueue_indirect_dma source(%dma_start3A_76 : memref<10000x128xi32, #tpu.memory_space<hbm>>) target(%arg13 : memref<128x128xi32, #tpu.memory_space<vmem>>) offsets(%dma_start3A_73 : memref<128xi32, #tpu.memory_space<vmem>>) semaphore(%arg17 : memref<!tpu.dma_semaphore, #tpu.memory_space<semaphore_mem>>)
        } else {
        }
        %mul3A_49 = arith.constant 2 : i32
        %mul3A_50 = arith.muli %mul3A_49, %scan3A_33 : i32
        %add3A_51 = arith.constant 1 : i32
        %add3A_52 = arith.addi %mul3A_50, %add3A_51 : i32
        %lt3A_53 = arith.constant 40 : i32
        %lt3A_54 = arith.cmpi slt, %add3A_52, %lt3A_53 : i32
        %convert_element_type3A_55 = arith.extui %lt3A_54 : i1 to i32
        %cond3A_56 = arith.constant 0 : i32
        %cond3A_57 = arith.cmpi ne, %convert_element_type3A_55, %cond3A_56 : i32
        scf.if %cond3A_57 {
          %mul3A_65 = arith.constant 128 : i32
          %mul3A_66 = arith.muli %add3A_52, %mul3A_65 : i32
          %dma_wait3A = tpu.memref_slice %arg10[%mul3A_66] : memref<5120xi32, #tpu.memory_space<vmem>> -> memref<128xi32, #tpu.memory_space<vmem>>
          %dma_wait3A_67 = arith.constant 0 : i32
          %dma_wait3A_68 = arith.constant 0 : i32
          %dma_wait3A_69 = tpu.memref_slice %arg4[%dma_wait3A_67, %dma_wait3A_68] : memref<10000x128xi32, #tpu.memory_space<hbm>> -> memref<10000x128xi32, #tpu.memory_space<hbm>>
          tpu.wait_indirect_dma semaphore(%arg18 : memref<!tpu.dma_semaphore, #tpu.memory_space<semaphore_mem>>) src(%dma_wait3A_69 : memref<10000x128xi32, #tpu.memory_space<hbm>>) dst(%arg14 : memref<128x128xi32, #tpu.memory_space<vmem>>)
          %dma_wait3A_70 = tpu.memref_slice %arg11[%mul3A_66] : memref<5120xi32, #tpu.memory_space<vmem>> -> memref<128xi32, #tpu.memory_space<vmem>>
          %dma_wait3A_71 = arith.constant 0 : i32
          %dma_wait3A_72 = arith.constant 0 : i32
          %dma_wait3A_73 = tpu.memref_slice %arg5[%dma_wait3A_71, %dma_wait3A_72] : memref<10000x128xi32, #tpu.memory_space<hbm>> -> memref<10000x128xi32, #tpu.memory_space<hbm>>
          tpu.wait_indirect_dma semaphore(%arg19 : memref<!tpu.dma_semaphore, #tpu.memory_space<semaphore_mem>>) src(%dma_wait3A_73 : memref<10000x128xi32, #tpu.memory_space<hbm>>) dst(%arg15 : memref<128x128xi32, #tpu.memory_space<vmem>>)
          %mul3A_74 = arith.constant 128 : i32
          %mul3A_75 = arith.muli %add3A_52, %mul3A_74 : i32
          %add3A_76 = arith.addi %add3A_8, %mul3A_75 : i32
          "tpu.region"() ({
            %run_scoped3A = tpu.sem_alloc : memref<!tpu.dma_semaphore, #tpu.memory_space<semaphore_mem>>
            %dma_start3A_77 = arith.constant 0 : i32
            %dma_start3A_78 = tpu.memref_slice %arg8[%add3A_76, %dma_start3A_77] : memref<163840x128xi32, #tpu.memory_space<hbm>> -> memref<128x128xi32, #tpu.memory_space<hbm>>
            %dma_start3A_79 = arith.constant 0 : i32
            %dma_start3A_80 = tpu.memref_slice %arg8[%add3A_76, %dma_start3A_79] : memref<163840x128xi32, #tpu.memory_space<hbm>> -> memref<128x128xi32, #tpu.memory_space<hbm>>
            tpu.enqueue_dma source(%arg14 : memref<128x128xi32, #tpu.memory_space<vmem>>) target(%dma_start3A_80 : memref<128x128xi32, #tpu.memory_space<hbm>>) target_semaphore(%run_scoped3A : memref<!tpu.dma_semaphore, #tpu.memory_space<semaphore_mem>>)
            %dma_wait3A_81 = arith.constant 0 : i32
            %dma_wait3A_82 = tpu.memref_slice %arg8[%add3A_76, %dma_wait3A_81] : memref<163840x128xi32, #tpu.memory_space<hbm>> -> memref<128x128xi32, #tpu.memory_space<hbm>>
            %dma_wait3A_83 = arith.constant 0 : i32
            %dma_wait3A_84 = tpu.memref_slice %arg8[%add3A_76, %dma_wait3A_83] : memref<163840x128xi32, #tpu.memory_space<hbm>> -> memref<128x128xi32, #tpu.memory_space<hbm>>
            tpu.wait_dma2 semaphore(%run_scoped3A : memref<!tpu.dma_semaphore, #tpu.memory_space<semaphore_mem>>) src(%arg14 : memref<128x128xi32, #tpu.memory_space<vmem>>) dst(%dma_wait3A_84 : memref<128x128xi32, #tpu.memory_space<hbm>>)
            tpu.yield
          }) : () -> ()
          "tpu.region"() ({
            %run_scoped3A = tpu.sem_alloc : memref<!tpu.dma_semaphore, #tpu.memory_space<semaphore_mem>>
            %dma_start3A_77 = arith.constant 0 : i32
            %dma_start3A_78 = tpu.memref_slice %arg9[%add3A_76, %dma_start3A_77] : memref<163840x128xi32, #tpu.memory_space<hbm>> -> memref<128x128xi32, #tpu.memory_space<hbm>>
            %dma_start3A_79 = arith.constant 0 : i32
            %dma_start3A_80 = tpu.memref_slice %arg9[%add3A_76, %dma_start3A_79] : memref<163840x128xi32, #tpu.memory_space<hbm>> -> memref<128x128xi32, #tpu.memory_space<hbm>>
            tpu.enqueue_dma source(%arg15 : memref<128x128xi32, #tpu.memory_space<vmem>>) target(%dma_start3A_80 : memref<128x128xi32, #tpu.memory_space<hbm>>) target_semaphore(%run_scoped3A : memref<!tpu.dma_semaphore, #tpu.memory_space<semaphore_mem>>)
            %dma_wait3A_81 = arith.constant 0 : i32
            %dma_wait3A_82 = tpu.memref_slice %arg9[%add3A_76, %dma_wait3A_81] : memref<163840x128xi32, #tpu.memory_space<hbm>> -> memref<128x128xi32, #tpu.memory_space<hbm>>
            %dma_wait3A_83 = arith.constant 0 : i32
            %dma_wait3A_84 = tpu.memref_slice %arg9[%add3A_76, %dma_wait3A_83] : memref<163840x128xi32, #tpu.memory_space<hbm>> -> memref<128x128xi32, #tpu.memory_space<hbm>>
            tpu.wait_dma2 semaphore(%run_scoped3A : memref<!tpu.dma_semaphore, #tpu.memory_space<semaphore_mem>>) src(%arg15 : memref<128x128xi32, #tpu.memory_space<vmem>>) dst(%dma_wait3A_84 : memref<128x128xi32, #tpu.memory_space<hbm>>)
            tpu.yield
          }) : () -> ()
        } else {
        }
        %add3A_58 = arith.constant 2 : i32
        %add3A_59 = arith.addi %add3A_52, %add3A_58 : i32
        %lt3A_60 = arith.constant 40 : i32
        %lt3A_61 = arith.cmpi slt, %add3A_59, %lt3A_60 : i32
        %convert_element_type3A_62 = arith.extui %lt3A_61 : i1 to i32
        %cond3A_63 = arith.constant 0 : i32
        %cond3A_64 = arith.cmpi ne, %convert_element_type3A_62, %cond3A_63 : i32
        scf.if %cond3A_64 {
          %add3A_65 = arith.constant 2 : i32
          %add3A_66 = arith.addi %add3A_52, %add3A_65 : i32
          %mul3A_67 = arith.constant 128 : i32
          %mul3A_68 = arith.muli %add3A_66, %mul3A_67 : i32
          %dma_start3A_69 = tpu.memref_slice %arg10[%mul3A_68] : memref<5120xi32, #tpu.memory_space<vmem>> -> memref<128xi32, #tpu.memory_space<vmem>>
          %dma_start3A_70 = arith.constant 0 : i32
          %dma_start3A_71 = arith.constant 0 : i32
          %dma_start3A_72 = tpu.memref_slice %arg4[%dma_start3A_70, %dma_start3A_71] : memref<10000x128xi32, #tpu.memory_space<hbm>> -> memref<10000x128xi32, #tpu.memory_space<hbm>>
          tpu.enqueue_indirect_dma source(%dma_start3A_72 : memref<10000x128xi32, #tpu.memory_space<hbm>>) target(%arg14 : memref<128x128xi32, #tpu.memory_space<vmem>>) offsets(%dma_start3A_69 : memref<128xi32, #tpu.memory_space<vmem>>) semaphore(%arg18 : memref<!tpu.dma_semaphore, #tpu.memory_space<semaphore_mem>>)
          %dma_start3A_73 = tpu.memref_slice %arg11[%mul3A_68] : memref<5120xi32, #tpu.memory_space<vmem>> -> memref<128xi32, #tpu.memory_space<vmem>>
          %dma_start3A_74 = arith.constant 0 : i32
          %dma_start3A_75 = arith.constant 0 : i32
          %dma_start3A_76 = tpu.memref_slice %arg5[%dma_start3A_74, %dma_start3A_75] : memref<10000x128xi32, #tpu.memory_space<hbm>> -> memref<10000x128xi32, #tpu.memory_space<hbm>>
          tpu.enqueue_indirect_dma source(%dma_start3A_76 : memref<10000x128xi32, #tpu.memory_space<hbm>>) target(%arg15 : memref<128x128xi32, #tpu.memory_space<vmem>>) offsets(%dma_start3A_73 : memref<128xi32, #tpu.memory_space<vmem>>) semaphore(%arg19 : memref<!tpu.dma_semaphore, #tpu.memory_space<semaphore_mem>>)
        } else {
        }
      }
      %scan3A_32 = arith.constant 20 : i32
    } else {
    }
    return
  }
}

#map = affine_map<(d0, d1) -> (0, 0)>
#map1 = affine_map<(d0, d1) -> (0)>
module attributes {stable_mosaic.version = 14 : i64} {
  func.func @scatter_k(%arg0: i32, %arg1: i32, %arg2: memref<160000x256xf32, #tpu.memory_space<hbm>>, %arg3: memref<160000xi32, #tpu.memory_space<hbm>>, %arg4: memref<640x128xf32, #tpu.memory_space<hbm>>, %arg5: memref<10240x256xf32, #tpu.memory_space<hbm>>, %arg6: memref<80xi32, #tpu.memory_space<vmem>>, %arg7: memref<80xi32, #tpu.memory_space<vmem>>, %arg8: memref<80x128xf32, #tpu.memory_space<vmem>>, %arg9: memref<80x128xf32, #tpu.memory_space<vmem>>, %arg10: memref<10240x128xf32, #tpu.memory_space<vmem_shared>>, %arg11: memref<!tpu.dma_semaphore, #tpu.memory_space<semaphore_mem>>, %arg12: memref<!tpu.dma_semaphore, #tpu.memory_space<semaphore_mem>>, %arg13: memref<!tpu.dma_semaphore, #tpu.memory_space<semaphore_mem>>, %arg14: memref<!tpu.dma_semaphore, #tpu.memory_space<semaphore_mem>>, %arg15: memref<!tpu.dma_semaphore, #tpu.memory_space<semaphore_mem>>, %arg16: memref<!tpu.dma_semaphore, #tpu.memory_space<semaphore_mem>>) attributes {dimension_semantics = [#tpu.dimension_semantics<core_parallel>, #tpu.dimension_semantics<subcore_parallel>], iteration_bounds = array<i64: 2, 16>, scalar_prefetch = 0 : i64, scratch_operands = 11 : i64, tpu.core_type = #tpu.core_type<sc_vector_subcore>, window_params = [{transform_indices = #map}, {transform_indices = #map1}, {transform_indices = #map}, {transform_indices = #map}]} {
    %mul3A = arith.constant 640 : i32
    %mul3A_0 = arith.muli %arg1, %mul3A : i32
    "tpu.region"() ({
      %run_scoped3A = tpu.sem_alloc : memref<!tpu.dma_semaphore, #tpu.memory_space<semaphore_mem>>
      %dma_start3A = arith.constant 0 : i32
      %dma_start3A_10 = tpu.memref_slice %arg10[%mul3A_0, %dma_start3A] : memref<10240x128xf32, #tpu.memory_space<vmem_shared>> -> memref<640x128xf32, #tpu.memory_space<vmem_shared>>
      tpu.enqueue_dma source(%arg4 : memref<640x128xf32, #tpu.memory_space<hbm>>) target(%dma_start3A_10 : memref<640x128xf32, #tpu.memory_space<vmem_shared>>) target_semaphore(%run_scoped3A : memref<!tpu.dma_semaphore, #tpu.memory_space<semaphore_mem>>)
      %dma_wait3A = arith.constant 0 : i32
      %dma_wait3A_11 = tpu.memref_slice %arg10[%mul3A_0, %dma_wait3A] : memref<10240x128xf32, #tpu.memory_space<vmem_shared>> -> memref<640x128xf32, #tpu.memory_space<vmem_shared>>
      tpu.wait_dma2 semaphore(%run_scoped3A : memref<!tpu.dma_semaphore, #tpu.memory_space<semaphore_mem>>) src(%arg4 : memref<640x128xf32, #tpu.memory_space<hbm>>) dst(%dma_wait3A_11 : memref<640x128xf32, #tpu.memory_space<vmem_shared>>)
      tpu.yield
    }) : () -> ()
    %mul3A_1 = arith.constant 10000 : i32
    %mul3A_2 = arith.muli %arg1, %mul3A_1 : i32
    %barrier3A = arith.constant 0 : index
    tpu.barrier barrier_id(%barrier3A)
    %eq3A = arith.constant 0 : i32
    %eq3A_3 = arith.cmpi eq, %arg0, %eq3A : i32
    %convert_element_type3A = arith.extui %eq3A_3 : i1 to i32
    %cond3A = arith.constant 0 : i32
    %cond3A_4 = arith.cmpi ne, %convert_element_type3A, %cond3A : i32
    scf.if %cond3A_4 {
      %add3A = arith.constant 0 : i32
      %add3A_10 = arith.addi %mul3A_2, %add3A : i32
      %dma_start3A = tpu.memref_slice %arg3[%add3A_10] : memref<160000xi32, #tpu.memory_space<hbm>> -> memref<80xi32, #tpu.memory_space<hbm>>
      %dma_start3A_11 = tpu.memref_slice %arg3[%add3A_10] : memref<160000xi32, #tpu.memory_space<hbm>> -> memref<80xi32, #tpu.memory_space<hbm>>
      tpu.enqueue_dma source(%dma_start3A_11 : memref<80xi32, #tpu.memory_space<hbm>>) target(%arg6 : memref<80xi32, #tpu.memory_space<vmem>>) target_semaphore(%arg11 : memref<!tpu.dma_semaphore, #tpu.memory_space<semaphore_mem>>)
      %add3A_12 = arith.constant 0 : i32
      %add3A_13 = arith.addi %mul3A_2, %add3A_12 : i32
      %dma_start3A_14 = arith.constant 0 : i32
      %dma_start3A_15 = tpu.memref_slice %arg2[%add3A_13, %dma_start3A_14] : memref<160000x256xf32, #tpu.memory_space<hbm>> -> memref<80x128xf32, #tpu.memory_space<hbm>>
      %dma_start3A_16 = arith.constant 0 : i32
      %dma_start3A_17 = tpu.memref_slice %arg2[%add3A_13, %dma_start3A_16] : memref<160000x256xf32, #tpu.memory_space<hbm>> -> memref<80x128xf32, #tpu.memory_space<hbm>>
      tpu.enqueue_dma source(%dma_start3A_17 : memref<80x128xf32, #tpu.memory_space<hbm>>) target(%arg8 : memref<80x128xf32, #tpu.memory_space<vmem>>) target_semaphore(%arg13 : memref<!tpu.dma_semaphore, #tpu.memory_space<semaphore_mem>>)
      %add3A_18 = arith.constant 80 : i32
      %add3A_19 = arith.addi %mul3A_2, %add3A_18 : i32
      %dma_start3A_20 = tpu.memref_slice %arg3[%add3A_19] : memref<160000xi32, #tpu.memory_space<hbm>> -> memref<80xi32, #tpu.memory_space<hbm>>
      %dma_start3A_21 = tpu.memref_slice %arg3[%add3A_19] : memref<160000xi32, #tpu.memory_space<hbm>> -> memref<80xi32, #tpu.memory_space<hbm>>
      tpu.enqueue_dma source(%dma_start3A_21 : memref<80xi32, #tpu.memory_space<hbm>>) target(%arg7 : memref<80xi32, #tpu.memory_space<vmem>>) target_semaphore(%arg12 : memref<!tpu.dma_semaphore, #tpu.memory_space<semaphore_mem>>)
      %add3A_22 = arith.constant 80 : i32
      %add3A_23 = arith.addi %mul3A_2, %add3A_22 : i32
      %dma_start3A_24 = arith.constant 0 : i32
      %dma_start3A_25 = tpu.memref_slice %arg2[%add3A_23, %dma_start3A_24] : memref<160000x256xf32, #tpu.memory_space<hbm>> -> memref<80x128xf32, #tpu.memory_space<hbm>>
      %dma_start3A_26 = arith.constant 0 : i32
      %dma_start3A_27 = tpu.memref_slice %arg2[%add3A_23, %dma_start3A_26] : memref<160000x256xf32, #tpu.memory_space<hbm>> -> memref<80x128xf32, #tpu.memory_space<hbm>>
      tpu.enqueue_dma source(%dma_start3A_27 : memref<80x128xf32, #tpu.memory_space<hbm>>) target(%arg9 : memref<80x128xf32, #tpu.memory_space<vmem>>) target_semaphore(%arg14 : memref<!tpu.dma_semaphore, #tpu.memory_space<semaphore_mem>>)
      %scan3A = arith.constant 0 : i32
      %scan3A_28 = arith.constant 0 : i32
      %scan3A_29 = arith.constant 63 : i32
      %scan3A_30 = arith.addi %scan3A_28, %scan3A_29 : i32
      %scan3A_31 = arith.constant 1 : i32
      scf.for %scan3A_43 = %scan3A_28 to %scan3A_30 step %scan3A_31  : i32 {
        %mul3A_44 = arith.constant 2 : i32
        %mul3A_45 = arith.muli %mul3A_44, %scan3A_43 : i32
        %add3A_46 = arith.constant 0 : i32
        %add3A_47 = arith.addi %mul3A_45, %add3A_46 : i32
        %lt3A = arith.constant 125 : i32
        %lt3A_48 = arith.cmpi slt, %add3A_47, %lt3A : i32
        %convert_element_type3A_49 = arith.extui %lt3A_48 : i1 to i32
        %cond3A_50 = arith.constant 0 : i32
        %cond3A_51 = arith.cmpi ne, %convert_element_type3A_49, %cond3A_50 : i32
        scf.if %cond3A_51 {
          %mul3A_75 = arith.constant 80 : i32
          %mul3A_76 = arith.muli %add3A_47, %mul3A_75 : i32
          %add3A_77 = arith.addi %mul3A_2, %mul3A_76 : i32
          %dma_wait3A_78 = tpu.memref_slice %arg3[%add3A_77] : memref<160000xi32, #tpu.memory_space<hbm>> -> memref<80xi32, #tpu.memory_space<hbm>>
          %dma_wait3A_79 = tpu.memref_slice %arg3[%add3A_77] : memref<160000xi32, #tpu.memory_space<hbm>> -> memref<80xi32, #tpu.memory_space<hbm>>
          tpu.wait_dma2 semaphore(%arg11 : memref<!tpu.dma_semaphore, #tpu.memory_space<semaphore_mem>>) src(%dma_wait3A_79 : memref<80xi32, #tpu.memory_space<hbm>>) dst(%arg6 : memref<80xi32, #tpu.memory_space<vmem>>)
          %mul3A_80 = arith.constant 80 : i32
          %mul3A_81 = arith.muli %add3A_47, %mul3A_80 : i32
          %add3A_82 = arith.addi %mul3A_2, %mul3A_81 : i32
          %dma_wait3A_83 = arith.constant 0 : i32
          %dma_wait3A_84 = tpu.memref_slice %arg2[%add3A_82, %dma_wait3A_83] : memref<160000x256xf32, #tpu.memory_space<hbm>> -> memref<80x128xf32, #tpu.memory_space<hbm>>
          %dma_wait3A_85 = arith.constant 0 : i32
          %dma_wait3A_86 = tpu.memref_slice %arg2[%add3A_82, %dma_wait3A_85] : memref<160000x256xf32, #tpu.memory_space<hbm>> -> memref<80x128xf32, #tpu.memory_space<hbm>>
          tpu.wait_dma2 semaphore(%arg13 : memref<!tpu.dma_semaphore, #tpu.memory_space<semaphore_mem>>) src(%dma_wait3A_86 : memref<80x128xf32, #tpu.memory_space<hbm>>) dst(%arg8 : memref<80x128xf32, #tpu.memory_space<vmem>>)
          %dma_start3A_87 = arith.constant 0 : i32
          %dma_start3A_88 = arith.constant 0 : i32
          %dma_start3A_89 = tpu.memref_slice %arg10[%dma_start3A_87, %dma_start3A_88] : memref<10240x128xf32, #tpu.memory_space<vmem_shared>> -> memref<10240x128xf32, #tpu.memory_space<vmem_shared>>
          tpu.enqueue_indirect_dma source(%arg8 : memref<80x128xf32, #tpu.memory_space<vmem>>) target(%dma_start3A_89 : memref<10240x128xf32, #tpu.memory_space<vmem_shared>>) offsets(%arg6 : memref<80xi32, #tpu.memory_space<vmem>>) semaphore(%arg15 : memref<!tpu.dma_semaphore, #tpu.memory_space<semaphore_mem>>) {add = true}
        } else {
        }
        %add3A_52 = arith.constant 2 : i32
        %add3A_53 = arith.addi %add3A_47, %add3A_52 : i32
        %lt3A_54 = arith.constant 125 : i32
        %lt3A_55 = arith.cmpi slt, %add3A_53, %lt3A_54 : i32
        %convert_element_type3A_56 = arith.extui %lt3A_55 : i1 to i32
        %cond3A_57 = arith.constant 0 : i32
        %cond3A_58 = arith.cmpi ne, %convert_element_type3A_56, %cond3A_57 : i32
        scf.if %cond3A_58 {
          %dma_wait3A_75 = arith.constant 0 : i32
          %dma_wait3A_76 = arith.constant 0 : i32
          %dma_wait3A_77 = tpu.memref_slice %arg10[%dma_wait3A_75, %dma_wait3A_76] : memref<10240x128xf32, #tpu.memory_space<vmem_shared>> -> memref<10240x128xf32, #tpu.memory_space<vmem_shared>>
          tpu.wait_indirect_dma semaphore(%arg15 : memref<!tpu.dma_semaphore, #tpu.memory_space<semaphore_mem>>) src(%arg8 : memref<80x128xf32, #tpu.memory_space<vmem>>) dst(%dma_wait3A_77 : memref<10240x128xf32, #tpu.memory_space<vmem_shared>>)
          %add3A_78 = arith.constant 2 : i32
          %add3A_79 = arith.addi %add3A_47, %add3A_78 : i32
          %mul3A_80 = arith.constant 80 : i32
          %mul3A_81 = arith.muli %add3A_79, %mul3A_80 : i32
          %add3A_82 = arith.addi %mul3A_2, %mul3A_81 : i32
          %dma_start3A_83 = tpu.memref_slice %arg3[%add3A_82] : memref<160000xi32, #tpu.memory_space<hbm>> -> memref<80xi32, #tpu.memory_space<hbm>>
          %dma_start3A_84 = tpu.memref_slice %arg3[%add3A_82] : memref<160000xi32, #tpu.memory_space<hbm>> -> memref<80xi32, #tpu.memory_space<hbm>>
          tpu.enqueue_dma source(%dma_start3A_84 : memref<80xi32, #tpu.memory_space<hbm>>) target(%arg6 : memref<80xi32, #tpu.memory_space<vmem>>) target_semaphore(%arg11 : memref<!tpu.dma_semaphore, #tpu.memory_space<semaphore_mem>>)
          %mul3A_85 = arith.constant 80 : i32
          %mul3A_86 = arith.muli %add3A_79, %mul3A_85 : i32
          %add3A_87 = arith.addi %mul3A_2, %mul3A_86 : i32
          %dma_start3A_88 = arith.constant 0 : i32
          %dma_start3A_89 = tpu.memref_slice %arg2[%add3A_87, %dma_start3A_88] : memref<160000x256xf32, #tpu.memory_space<hbm>> -> memref<80x128xf32, #tpu.memory_space<hbm>>
          %dma_start3A_90 = arith.constant 0 : i32
          %dma_start3A_91 = tpu.memref_slice %arg2[%add3A_87, %dma_start3A_90] : memref<160000x256xf32, #tpu.memory_space<hbm>> -> memref<80x128xf32, #tpu.memory_space<hbm>>
          tpu.enqueue_dma source(%dma_start3A_91 : memref<80x128xf32, #tpu.memory_space<hbm>>) target(%arg8 : memref<80x128xf32, #tpu.memory_space<vmem>>) target_semaphore(%arg13 : memref<!tpu.dma_semaphore, #tpu.memory_space<semaphore_mem>>)
        } else {
        }
        %mul3A_59 = arith.constant 2 : i32
        %mul3A_60 = arith.muli %mul3A_59, %scan3A_43 : i32
        %add3A_61 = arith.constant 1 : i32
        %add3A_62 = arith.addi %mul3A_60, %add3A_61 : i32
        %lt3A_63 = arith.constant 125 : i32
        %lt3A_64 = arith.cmpi slt, %add3A_62, %lt3A_63 : i32
        %convert_element_type3A_65 = arith.extui %lt3A_64 : i1 to i32
        %cond3A_66 = arith.constant 0 : i32
        %cond3A_67 = arith.cmpi ne, %convert_element_type3A_65, %cond3A_66 : i32
        scf.if %cond3A_67 {
          %mul3A_75 = arith.constant 80 : i32
          %mul3A_76 = arith.muli %add3A_62, %mul3A_75 : i32
          %add3A_77 = arith.addi %mul3A_2, %mul3A_76 : i32
          %dma_wait3A_78 = tpu.memref_slice %arg3[%add3A_77] : memref<160000xi32, #tpu.memory_space<hbm>> -> memref<80xi32, #tpu.memory_space<hbm>>
          %dma_wait3A_79 = tpu.memref_slice %arg3[%add3A_77] : memref<160000xi32, #tpu.memory_space<hbm>> -> memref<80xi32, #tpu.memory_space<hbm>>
          tpu.wait_dma2 semaphore(%arg12 : memref<!tpu.dma_semaphore, #tpu.memory_space<semaphore_mem>>) src(%dma_wait3A_79 : memref<80xi32, #tpu.memory_space<hbm>>) dst(%arg7 : memref<80xi32, #tpu.memory_space<vmem>>)
          %mul3A_80 = arith.constant 80 : i32
          %mul3A_81 = arith.muli %add3A_62, %mul3A_80 : i32
          %add3A_82 = arith.addi %mul3A_2, %mul3A_81 : i32
          %dma_wait3A_83 = arith.constant 0 : i32
          %dma_wait3A_84 = tpu.memref_slice %arg2[%add3A_82, %dma_wait3A_83] : memref<160000x256xf32, #tpu.memory_space<hbm>> -> memref<80x128xf32, #tpu.memory_space<hbm>>
          %dma_wait3A_85 = arith.constant 0 : i32
          %dma_wait3A_86 = tpu.memref_slice %arg2[%add3A_82, %dma_wait3A_85] : memref<160000x256xf32, #tpu.memory_space<hbm>> -> memref<80x128xf32, #tpu.memory_space<hbm>>
          tpu.wait_dma2 semaphore(%arg14 : memref<!tpu.dma_semaphore, #tpu.memory_space<semaphore_mem>>) src(%dma_wait3A_86 : memref<80x128xf32, #tpu.memory_space<hbm>>) dst(%arg9 : memref<80x128xf32, #tpu.memory_space<vmem>>)
          %dma_start3A_87 = arith.constant 0 : i32
          %dma_start3A_88 = arith.constant 0 : i32
          %dma_start3A_89 = tpu.memref_slice %arg10[%dma_start3A_87, %dma_start3A_88] : memref<10240x128xf32, #tpu.memory_space<vmem_shared>> -> memref<10240x128xf32, #tpu.memory_space<vmem_shared>>
          tpu.enqueue_indirect_dma source(%arg9 : memref<80x128xf32, #tpu.memory_space<vmem>>) target(%dma_start3A_89 : memref<10240x128xf32, #tpu.memory_space<vmem_shared>>) offsets(%arg7 : memref<80xi32, #tpu.memory_space<vmem>>) semaphore(%arg16 : memref<!tpu.dma_semaphore, #tpu.memory_space<semaphore_mem>>) {add = true}
        } else {
        }
        %add3A_68 = arith.constant 2 : i32
        %add3A_69 = arith.addi %add3A_62, %add3A_68 : i32
        %lt3A_70 = arith.constant 125 : i32
        %lt3A_71 = arith.cmpi slt, %add3A_69, %lt3A_70 : i32
        %convert_element_type3A_72 = arith.extui %lt3A_71 : i1 to i32
        %cond3A_73 = arith.constant 0 : i32
        %cond3A_74 = arith.cmpi ne, %convert_element_type3A_72, %cond3A_73 : i32
        scf.if %cond3A_74 {
          %dma_wait3A_75 = arith.constant 0 : i32
          %dma_wait3A_76 = arith.constant 0 : i32
          %dma_wait3A_77 = tpu.memref_slice %arg10[%dma_wait3A_75, %dma_wait3A_76] : memref<10240x128xf32, #tpu.memory_space<vmem_shared>> -> memref<10240x128xf32, #tpu.memory_space<vmem_shared>>
          tpu.wait_indirect_dma semaphore(%arg16 : memref<!tpu.dma_semaphore, #tpu.memory_space<semaphore_mem>>) src(%arg9 : memref<80x128xf32, #tpu.memory_space<vmem>>) dst(%dma_wait3A_77 : memref<10240x128xf32, #tpu.memory_space<vmem_shared>>)
          %add3A_78 = arith.constant 2 : i32
          %add3A_79 = arith.addi %add3A_62, %add3A_78 : i32
          %mul3A_80 = arith.constant 80 : i32
          %mul3A_81 = arith.muli %add3A_79, %mul3A_80 : i32
          %add3A_82 = arith.addi %mul3A_2, %mul3A_81 : i32
          %dma_start3A_83 = tpu.memref_slice %arg3[%add3A_82] : memref<160000xi32, #tpu.memory_space<hbm>> -> memref<80xi32, #tpu.memory_space<hbm>>
          %dma_start3A_84 = tpu.memref_slice %arg3[%add3A_82] : memref<160000xi32, #tpu.memory_space<hbm>> -> memref<80xi32, #tpu.memory_space<hbm>>
          tpu.enqueue_dma source(%dma_start3A_84 : memref<80xi32, #tpu.memory_space<hbm>>) target(%arg7 : memref<80xi32, #tpu.memory_space<vmem>>) target_semaphore(%arg12 : memref<!tpu.dma_semaphore, #tpu.memory_space<semaphore_mem>>)
          %mul3A_85 = arith.constant 80 : i32
          %mul3A_86 = arith.muli %add3A_79, %mul3A_85 : i32
          %add3A_87 = arith.addi %mul3A_2, %mul3A_86 : i32
          %dma_start3A_88 = arith.constant 0 : i32
          %dma_start3A_89 = tpu.memref_slice %arg2[%add3A_87, %dma_start3A_88] : memref<160000x256xf32, #tpu.memory_space<hbm>> -> memref<80x128xf32, #tpu.memory_space<hbm>>
          %dma_start3A_90 = arith.constant 0 : i32
          %dma_start3A_91 = tpu.memref_slice %arg2[%add3A_87, %dma_start3A_90] : memref<160000x256xf32, #tpu.memory_space<hbm>> -> memref<80x128xf32, #tpu.memory_space<hbm>>
          tpu.enqueue_dma source(%dma_start3A_91 : memref<80x128xf32, #tpu.memory_space<hbm>>) target(%arg9 : memref<80x128xf32, #tpu.memory_space<vmem>>) target_semaphore(%arg14 : memref<!tpu.dma_semaphore, #tpu.memory_space<semaphore_mem>>)
        } else {
        }
      }
      %scan3A_32 = arith.constant 63 : i32
      %dma_wait3A = arith.constant 0 : i32
      %dma_wait3A_33 = arith.constant 0 : i32
      %dma_wait3A_34 = tpu.memref_slice %arg10[%dma_wait3A, %dma_wait3A_33] : memref<10240x128xf32, #tpu.memory_space<vmem_shared>> -> memref<10240x128xf32, #tpu.memory_space<vmem_shared>>
      tpu.wait_indirect_dma semaphore(%arg16 : memref<!tpu.dma_semaphore, #tpu.memory_space<semaphore_mem>>) src(%arg9 : memref<80x128xf32, #tpu.memory_space<vmem>>) dst(%dma_wait3A_34 : memref<10240x128xf32, #tpu.memory_space<vmem_shared>>)
      %dma_wait3A_35 = arith.constant 0 : i32
      %dma_wait3A_36 = arith.constant 0 : i32
      %dma_wait3A_37 = tpu.memref_slice %arg10[%dma_wait3A_35, %dma_wait3A_36] : memref<10240x128xf32, #tpu.memory_space<vmem_shared>> -> memref<10240x128xf32, #tpu.memory_space<vmem_shared>>
      tpu.wait_indirect_dma semaphore(%arg15 : memref<!tpu.dma_semaphore, #tpu.memory_space<semaphore_mem>>) src(%arg8 : memref<80x128xf32, #tpu.memory_space<vmem>>) dst(%dma_wait3A_37 : memref<10240x128xf32, #tpu.memory_space<vmem_shared>>)
      %barrier3A_38 = arith.constant 0 : index
      tpu.barrier barrier_id(%barrier3A_38)
      %mul3A_39 = arith.constant 640 : i32
      %mul3A_40 = arith.muli %arg1, %mul3A_39 : i32
      %mul3A_41 = arith.constant 640 : i32
      %mul3A_42 = arith.muli %arg1, %mul3A_41 : i32
      "tpu.region"() ({
        %run_scoped3A = tpu.sem_alloc : memref<!tpu.dma_semaphore, #tpu.memory_space<semaphore_mem>>
        %dma_start3A_43 = arith.constant 0 : i32
        %dma_start3A_44 = tpu.memref_slice %arg5[%mul3A_42, %dma_start3A_43] : memref<10240x256xf32, #tpu.memory_space<hbm>> -> memref<640x128xf32, #tpu.memory_space<hbm>>
        %dma_start3A_45 = arith.constant 0 : i32
        %dma_start3A_46 = tpu.memref_slice %arg10[%mul3A_40, %dma_start3A_45] : memref<10240x128xf32, #tpu.memory_space<vmem_shared>> -> memref<640x128xf32, #tpu.memory_space<vmem_shared>>
        tpu.enqueue_dma source(%dma_start3A_46 : memref<640x128xf32, #tpu.memory_space<vmem_shared>>) target(%dma_start3A_44 : memref<640x128xf32, #tpu.memory_space<hbm>>) target_semaphore(%run_scoped3A : memref<!tpu.dma_semaphore, #tpu.memory_space<semaphore_mem>>)
        %dma_wait3A_47 = arith.constant 0 : i32
        %dma_wait3A_48 = tpu.memref_slice %arg5[%mul3A_42, %dma_wait3A_47] : memref<10240x256xf32, #tpu.memory_space<hbm>> -> memref<640x128xf32, #tpu.memory_space<hbm>>
        %dma_wait3A_49 = arith.constant 0 : i32
        %dma_wait3A_50 = tpu.memref_slice %arg10[%mul3A_40, %dma_wait3A_49] : memref<10240x128xf32, #tpu.memory_space<vmem_shared>> -> memref<640x128xf32, #tpu.memory_space<vmem_shared>>
        tpu.wait_dma2 semaphore(%run_scoped3A : memref<!tpu.dma_semaphore, #tpu.memory_space<semaphore_mem>>) src(%dma_wait3A_50 : memref<640x128xf32, #tpu.memory_space<vmem_shared>>) dst(%dma_wait3A_48 : memref<640x128xf32, #tpu.memory_space<hbm>>)
        tpu.yield
      }) : () -> ()
    } else {
    }
    %eq3A_5 = arith.constant 1 : i32
    %eq3A_6 = arith.cmpi eq, %arg0, %eq3A_5 : i32
    %convert_element_type3A_7 = arith.extui %eq3A_6 : i1 to i32
    %cond3A_8 = arith.constant 0 : i32
    %cond3A_9 = arith.cmpi ne, %convert_element_type3A_7, %cond3A_8 : i32
    scf.if %cond3A_9 {
      %add3A = arith.constant 0 : i32
      %add3A_10 = arith.addi %mul3A_2, %add3A : i32
      %dma_start3A = tpu.memref_slice %arg3[%add3A_10] : memref<160000xi32, #tpu.memory_space<hbm>> -> memref<80xi32, #tpu.memory_space<hbm>>
      %dma_start3A_11 = tpu.memref_slice %arg3[%add3A_10] : memref<160000xi32, #tpu.memory_space<hbm>> -> memref<80xi32, #tpu.memory_space<hbm>>
      tpu.enqueue_dma source(%dma_start3A_11 : memref<80xi32, #tpu.memory_space<hbm>>) target(%arg6 : memref<80xi32, #tpu.memory_space<vmem>>) target_semaphore(%arg11 : memref<!tpu.dma_semaphore, #tpu.memory_space<semaphore_mem>>)
      %add3A_12 = arith.constant 0 : i32
      %add3A_13 = arith.addi %mul3A_2, %add3A_12 : i32
      %dma_start3A_14 = arith.constant 128 : i32
      %dma_start3A_15 = tpu.memref_slice %arg2[%add3A_13, %dma_start3A_14] : memref<160000x256xf32, #tpu.memory_space<hbm>> -> memref<80x128xf32, #tpu.memory_space<hbm>>
      %dma_start3A_16 = arith.constant 128 : i32
      %dma_start3A_17 = tpu.memref_slice %arg2[%add3A_13, %dma_start3A_16] : memref<160000x256xf32, #tpu.memory_space<hbm>> -> memref<80x128xf32, #tpu.memory_space<hbm>>
      tpu.enqueue_dma source(%dma_start3A_17 : memref<80x128xf32, #tpu.memory_space<hbm>>) target(%arg8 : memref<80x128xf32, #tpu.memory_space<vmem>>) target_semaphore(%arg13 : memref<!tpu.dma_semaphore, #tpu.memory_space<semaphore_mem>>)
      %add3A_18 = arith.constant 80 : i32
      %add3A_19 = arith.addi %mul3A_2, %add3A_18 : i32
      %dma_start3A_20 = tpu.memref_slice %arg3[%add3A_19] : memref<160000xi32, #tpu.memory_space<hbm>> -> memref<80xi32, #tpu.memory_space<hbm>>
      %dma_start3A_21 = tpu.memref_slice %arg3[%add3A_19] : memref<160000xi32, #tpu.memory_space<hbm>> -> memref<80xi32, #tpu.memory_space<hbm>>
      tpu.enqueue_dma source(%dma_start3A_21 : memref<80xi32, #tpu.memory_space<hbm>>) target(%arg7 : memref<80xi32, #tpu.memory_space<vmem>>) target_semaphore(%arg12 : memref<!tpu.dma_semaphore, #tpu.memory_space<semaphore_mem>>)
      %add3A_22 = arith.constant 80 : i32
      %add3A_23 = arith.addi %mul3A_2, %add3A_22 : i32
      %dma_start3A_24 = arith.constant 128 : i32
      %dma_start3A_25 = tpu.memref_slice %arg2[%add3A_23, %dma_start3A_24] : memref<160000x256xf32, #tpu.memory_space<hbm>> -> memref<80x128xf32, #tpu.memory_space<hbm>>
      %dma_start3A_26 = arith.constant 128 : i32
      %dma_start3A_27 = tpu.memref_slice %arg2[%add3A_23, %dma_start3A_26] : memref<160000x256xf32, #tpu.memory_space<hbm>> -> memref<80x128xf32, #tpu.memory_space<hbm>>
      tpu.enqueue_dma source(%dma_start3A_27 : memref<80x128xf32, #tpu.memory_space<hbm>>) target(%arg9 : memref<80x128xf32, #tpu.memory_space<vmem>>) target_semaphore(%arg14 : memref<!tpu.dma_semaphore, #tpu.memory_space<semaphore_mem>>)
      %scan3A = arith.constant 0 : i32
      %scan3A_28 = arith.constant 0 : i32
      %scan3A_29 = arith.constant 63 : i32
      %scan3A_30 = arith.addi %scan3A_28, %scan3A_29 : i32
      %scan3A_31 = arith.constant 1 : i32
      scf.for %scan3A_43 = %scan3A_28 to %scan3A_30 step %scan3A_31  : i32 {
        %mul3A_44 = arith.constant 2 : i32
        %mul3A_45 = arith.muli %mul3A_44, %scan3A_43 : i32
        %add3A_46 = arith.constant 0 : i32
        %add3A_47 = arith.addi %mul3A_45, %add3A_46 : i32
        %lt3A = arith.constant 125 : i32
        %lt3A_48 = arith.cmpi slt, %add3A_47, %lt3A : i32
        %convert_element_type3A_49 = arith.extui %lt3A_48 : i1 to i32
        %cond3A_50 = arith.constant 0 : i32
        %cond3A_51 = arith.cmpi ne, %convert_element_type3A_49, %cond3A_50 : i32
        scf.if %cond3A_51 {
          %mul3A_75 = arith.constant 80 : i32
          %mul3A_76 = arith.muli %add3A_47, %mul3A_75 : i32
          %add3A_77 = arith.addi %mul3A_2, %mul3A_76 : i32
          %dma_wait3A_78 = tpu.memref_slice %arg3[%add3A_77] : memref<160000xi32, #tpu.memory_space<hbm>> -> memref<80xi32, #tpu.memory_space<hbm>>
          %dma_wait3A_79 = tpu.memref_slice %arg3[%add3A_77] : memref<160000xi32, #tpu.memory_space<hbm>> -> memref<80xi32, #tpu.memory_space<hbm>>
          tpu.wait_dma2 semaphore(%arg11 : memref<!tpu.dma_semaphore, #tpu.memory_space<semaphore_mem>>) src(%dma_wait3A_79 : memref<80xi32, #tpu.memory_space<hbm>>) dst(%arg6 : memref<80xi32, #tpu.memory_space<vmem>>)
          %mul3A_80 = arith.constant 80 : i32
          %mul3A_81 = arith.muli %add3A_47, %mul3A_80 : i32
          %add3A_82 = arith.addi %mul3A_2, %mul3A_81 : i32
          %dma_wait3A_83 = arith.constant 128 : i32
          %dma_wait3A_84 = tpu.memref_slice %arg2[%add3A_82, %dma_wait3A_83] : memref<160000x256xf32, #tpu.memory_space<hbm>> -> memref<80x128xf32, #tpu.memory_space<hbm>>
          %dma_wait3A_85 = arith.constant 128 : i32
          %dma_wait3A_86 = tpu.memref_slice %arg2[%add3A_82, %dma_wait3A_85] : memref<160000x256xf32, #tpu.memory_space<hbm>> -> memref<80x128xf32, #tpu.memory_space<hbm>>
          tpu.wait_dma2 semaphore(%arg13 : memref<!tpu.dma_semaphore, #tpu.memory_space<semaphore_mem>>) src(%dma_wait3A_86 : memref<80x128xf32, #tpu.memory_space<hbm>>) dst(%arg8 : memref<80x128xf32, #tpu.memory_space<vmem>>)
          %dma_start3A_87 = arith.constant 0 : i32
          %dma_start3A_88 = arith.constant 0 : i32
          %dma_start3A_89 = tpu.memref_slice %arg10[%dma_start3A_87, %dma_start3A_88] : memref<10240x128xf32, #tpu.memory_space<vmem_shared>> -> memref<10240x128xf32, #tpu.memory_space<vmem_shared>>
          tpu.enqueue_indirect_dma source(%arg8 : memref<80x128xf32, #tpu.memory_space<vmem>>) target(%dma_start3A_89 : memref<10240x128xf32, #tpu.memory_space<vmem_shared>>) offsets(%arg6 : memref<80xi32, #tpu.memory_space<vmem>>) semaphore(%arg15 : memref<!tpu.dma_semaphore, #tpu.memory_space<semaphore_mem>>) {add = true}
        } else {
        }
        %add3A_52 = arith.constant 2 : i32
        %add3A_53 = arith.addi %add3A_47, %add3A_52 : i32
        %lt3A_54 = arith.constant 125 : i32
        %lt3A_55 = arith.cmpi slt, %add3A_53, %lt3A_54 : i32
        %convert_element_type3A_56 = arith.extui %lt3A_55 : i1 to i32
        %cond3A_57 = arith.constant 0 : i32
        %cond3A_58 = arith.cmpi ne, %convert_element_type3A_56, %cond3A_57 : i32
        scf.if %cond3A_58 {
          %dma_wait3A_75 = arith.constant 0 : i32
          %dma_wait3A_76 = arith.constant 0 : i32
          %dma_wait3A_77 = tpu.memref_slice %arg10[%dma_wait3A_75, %dma_wait3A_76] : memref<10240x128xf32, #tpu.memory_space<vmem_shared>> -> memref<10240x128xf32, #tpu.memory_space<vmem_shared>>
          tpu.wait_indirect_dma semaphore(%arg15 : memref<!tpu.dma_semaphore, #tpu.memory_space<semaphore_mem>>) src(%arg8 : memref<80x128xf32, #tpu.memory_space<vmem>>) dst(%dma_wait3A_77 : memref<10240x128xf32, #tpu.memory_space<vmem_shared>>)
          %add3A_78 = arith.constant 2 : i32
          %add3A_79 = arith.addi %add3A_47, %add3A_78 : i32
          %mul3A_80 = arith.constant 80 : i32
          %mul3A_81 = arith.muli %add3A_79, %mul3A_80 : i32
          %add3A_82 = arith.addi %mul3A_2, %mul3A_81 : i32
          %dma_start3A_83 = tpu.memref_slice %arg3[%add3A_82] : memref<160000xi32, #tpu.memory_space<hbm>> -> memref<80xi32, #tpu.memory_space<hbm>>
          %dma_start3A_84 = tpu.memref_slice %arg3[%add3A_82] : memref<160000xi32, #tpu.memory_space<hbm>> -> memref<80xi32, #tpu.memory_space<hbm>>
          tpu.enqueue_dma source(%dma_start3A_84 : memref<80xi32, #tpu.memory_space<hbm>>) target(%arg6 : memref<80xi32, #tpu.memory_space<vmem>>) target_semaphore(%arg11 : memref<!tpu.dma_semaphore, #tpu.memory_space<semaphore_mem>>)
          %mul3A_85 = arith.constant 80 : i32
          %mul3A_86 = arith.muli %add3A_79, %mul3A_85 : i32
          %add3A_87 = arith.addi %mul3A_2, %mul3A_86 : i32
          %dma_start3A_88 = arith.constant 128 : i32
          %dma_start3A_89 = tpu.memref_slice %arg2[%add3A_87, %dma_start3A_88] : memref<160000x256xf32, #tpu.memory_space<hbm>> -> memref<80x128xf32, #tpu.memory_space<hbm>>
          %dma_start3A_90 = arith.constant 128 : i32
          %dma_start3A_91 = tpu.memref_slice %arg2[%add3A_87, %dma_start3A_90] : memref<160000x256xf32, #tpu.memory_space<hbm>> -> memref<80x128xf32, #tpu.memory_space<hbm>>
          tpu.enqueue_dma source(%dma_start3A_91 : memref<80x128xf32, #tpu.memory_space<hbm>>) target(%arg8 : memref<80x128xf32, #tpu.memory_space<vmem>>) target_semaphore(%arg13 : memref<!tpu.dma_semaphore, #tpu.memory_space<semaphore_mem>>)
        } else {
        }
        %mul3A_59 = arith.constant 2 : i32
        %mul3A_60 = arith.muli %mul3A_59, %scan3A_43 : i32
        %add3A_61 = arith.constant 1 : i32
        %add3A_62 = arith.addi %mul3A_60, %add3A_61 : i32
        %lt3A_63 = arith.constant 125 : i32
        %lt3A_64 = arith.cmpi slt, %add3A_62, %lt3A_63 : i32
        %convert_element_type3A_65 = arith.extui %lt3A_64 : i1 to i32
        %cond3A_66 = arith.constant 0 : i32
        %cond3A_67 = arith.cmpi ne, %convert_element_type3A_65, %cond3A_66 : i32
        scf.if %cond3A_67 {
          %mul3A_75 = arith.constant 80 : i32
          %mul3A_76 = arith.muli %add3A_62, %mul3A_75 : i32
          %add3A_77 = arith.addi %mul3A_2, %mul3A_76 : i32
          %dma_wait3A_78 = tpu.memref_slice %arg3[%add3A_77] : memref<160000xi32, #tpu.memory_space<hbm>> -> memref<80xi32, #tpu.memory_space<hbm>>
          %dma_wait3A_79 = tpu.memref_slice %arg3[%add3A_77] : memref<160000xi32, #tpu.memory_space<hbm>> -> memref<80xi32, #tpu.memory_space<hbm>>
          tpu.wait_dma2 semaphore(%arg12 : memref<!tpu.dma_semaphore, #tpu.memory_space<semaphore_mem>>) src(%dma_wait3A_79 : memref<80xi32, #tpu.memory_space<hbm>>) dst(%arg7 : memref<80xi32, #tpu.memory_space<vmem>>)
          %mul3A_80 = arith.constant 80 : i32
          %mul3A_81 = arith.muli %add3A_62, %mul3A_80 : i32
          %add3A_82 = arith.addi %mul3A_2, %mul3A_81 : i32
          %dma_wait3A_83 = arith.constant 128 : i32
          %dma_wait3A_84 = tpu.memref_slice %arg2[%add3A_82, %dma_wait3A_83] : memref<160000x256xf32, #tpu.memory_space<hbm>> -> memref<80x128xf32, #tpu.memory_space<hbm>>
          %dma_wait3A_85 = arith.constant 128 : i32
          %dma_wait3A_86 = tpu.memref_slice %arg2[%add3A_82, %dma_wait3A_85] : memref<160000x256xf32, #tpu.memory_space<hbm>> -> memref<80x128xf32, #tpu.memory_space<hbm>>
          tpu.wait_dma2 semaphore(%arg14 : memref<!tpu.dma_semaphore, #tpu.memory_space<semaphore_mem>>) src(%dma_wait3A_86 : memref<80x128xf32, #tpu.memory_space<hbm>>) dst(%arg9 : memref<80x128xf32, #tpu.memory_space<vmem>>)
          %dma_start3A_87 = arith.constant 0 : i32
          %dma_start3A_88 = arith.constant 0 : i32
          %dma_start3A_89 = tpu.memref_slice %arg10[%dma_start3A_87, %dma_start3A_88] : memref<10240x128xf32, #tpu.memory_space<vmem_shared>> -> memref<10240x128xf32, #tpu.memory_space<vmem_shared>>
          tpu.enqueue_indirect_dma source(%arg9 : memref<80x128xf32, #tpu.memory_space<vmem>>) target(%dma_start3A_89 : memref<10240x128xf32, #tpu.memory_space<vmem_shared>>) offsets(%arg7 : memref<80xi32, #tpu.memory_space<vmem>>) semaphore(%arg16 : memref<!tpu.dma_semaphore, #tpu.memory_space<semaphore_mem>>) {add = true}
        } else {
        }
        %add3A_68 = arith.constant 2 : i32
        %add3A_69 = arith.addi %add3A_62, %add3A_68 : i32
        %lt3A_70 = arith.constant 125 : i32
        %lt3A_71 = arith.cmpi slt, %add3A_69, %lt3A_70 : i32
        %convert_element_type3A_72 = arith.extui %lt3A_71 : i1 to i32
        %cond3A_73 = arith.constant 0 : i32
        %cond3A_74 = arith.cmpi ne, %convert_element_type3A_72, %cond3A_73 : i32
        scf.if %cond3A_74 {
          %dma_wait3A_75 = arith.constant 0 : i32
          %dma_wait3A_76 = arith.constant 0 : i32
          %dma_wait3A_77 = tpu.memref_slice %arg10[%dma_wait3A_75, %dma_wait3A_76] : memref<10240x128xf32, #tpu.memory_space<vmem_shared>> -> memref<10240x128xf32, #tpu.memory_space<vmem_shared>>
          tpu.wait_indirect_dma semaphore(%arg16 : memref<!tpu.dma_semaphore, #tpu.memory_space<semaphore_mem>>) src(%arg9 : memref<80x128xf32, #tpu.memory_space<vmem>>) dst(%dma_wait3A_77 : memref<10240x128xf32, #tpu.memory_space<vmem_shared>>)
          %add3A_78 = arith.constant 2 : i32
          %add3A_79 = arith.addi %add3A_62, %add3A_78 : i32
          %mul3A_80 = arith.constant 80 : i32
          %mul3A_81 = arith.muli %add3A_79, %mul3A_80 : i32
          %add3A_82 = arith.addi %mul3A_2, %mul3A_81 : i32
          %dma_start3A_83 = tpu.memref_slice %arg3[%add3A_82] : memref<160000xi32, #tpu.memory_space<hbm>> -> memref<80xi32, #tpu.memory_space<hbm>>
          %dma_start3A_84 = tpu.memref_slice %arg3[%add3A_82] : memref<160000xi32, #tpu.memory_space<hbm>> -> memref<80xi32, #tpu.memory_space<hbm>>
          tpu.enqueue_dma source(%dma_start3A_84 : memref<80xi32, #tpu.memory_space<hbm>>) target(%arg7 : memref<80xi32, #tpu.memory_space<vmem>>) target_semaphore(%arg12 : memref<!tpu.dma_semaphore, #tpu.memory_space<semaphore_mem>>)
          %mul3A_85 = arith.constant 80 : i32
          %mul3A_86 = arith.muli %add3A_79, %mul3A_85 : i32
          %add3A_87 = arith.addi %mul3A_2, %mul3A_86 : i32
          %dma_start3A_88 = arith.constant 128 : i32
          %dma_start3A_89 = tpu.memref_slice %arg2[%add3A_87, %dma_start3A_88] : memref<160000x256xf32, #tpu.memory_space<hbm>> -> memref<80x128xf32, #tpu.memory_space<hbm>>
          %dma_start3A_90 = arith.constant 128 : i32
          %dma_start3A_91 = tpu.memref_slice %arg2[%add3A_87, %dma_start3A_90] : memref<160000x256xf32, #tpu.memory_space<hbm>> -> memref<80x128xf32, #tpu.memory_space<hbm>>
          tpu.enqueue_dma source(%dma_start3A_91 : memref<80x128xf32, #tpu.memory_space<hbm>>) target(%arg9 : memref<80x128xf32, #tpu.memory_space<vmem>>) target_semaphore(%arg14 : memref<!tpu.dma_semaphore, #tpu.memory_space<semaphore_mem>>)
        } else {
        }
      }
      %scan3A_32 = arith.constant 63 : i32
      %dma_wait3A = arith.constant 0 : i32
      %dma_wait3A_33 = arith.constant 0 : i32
      %dma_wait3A_34 = tpu.memref_slice %arg10[%dma_wait3A, %dma_wait3A_33] : memref<10240x128xf32, #tpu.memory_space<vmem_shared>> -> memref<10240x128xf32, #tpu.memory_space<vmem_shared>>
      tpu.wait_indirect_dma semaphore(%arg16 : memref<!tpu.dma_semaphore, #tpu.memory_space<semaphore_mem>>) src(%arg9 : memref<80x128xf32, #tpu.memory_space<vmem>>) dst(%dma_wait3A_34 : memref<10240x128xf32, #tpu.memory_space<vmem_shared>>)
      %dma_wait3A_35 = arith.constant 0 : i32
      %dma_wait3A_36 = arith.constant 0 : i32
      %dma_wait3A_37 = tpu.memref_slice %arg10[%dma_wait3A_35, %dma_wait3A_36] : memref<10240x128xf32, #tpu.memory_space<vmem_shared>> -> memref<10240x128xf32, #tpu.memory_space<vmem_shared>>
      tpu.wait_indirect_dma semaphore(%arg15 : memref<!tpu.dma_semaphore, #tpu.memory_space<semaphore_mem>>) src(%arg8 : memref<80x128xf32, #tpu.memory_space<vmem>>) dst(%dma_wait3A_37 : memref<10240x128xf32, #tpu.memory_space<vmem_shared>>)
      %barrier3A_38 = arith.constant 0 : index
      tpu.barrier barrier_id(%barrier3A_38)
      %mul3A_39 = arith.constant 640 : i32
      %mul3A_40 = arith.muli %arg1, %mul3A_39 : i32
      %mul3A_41 = arith.constant 640 : i32
      %mul3A_42 = arith.muli %arg1, %mul3A_41 : i32
      "tpu.region"() ({
        %run_scoped3A = tpu.sem_alloc : memref<!tpu.dma_semaphore, #tpu.memory_space<semaphore_mem>>
        %dma_start3A_43 = arith.constant 128 : i32
        %dma_start3A_44 = tpu.memref_slice %arg5[%mul3A_42, %dma_start3A_43] : memref<10240x256xf32, #tpu.memory_space<hbm>> -> memref<640x128xf32, #tpu.memory_space<hbm>>
        %dma_start3A_45 = arith.constant 0 : i32
        %dma_start3A_46 = tpu.memref_slice %arg10[%mul3A_40, %dma_start3A_45] : memref<10240x128xf32, #tpu.memory_space<vmem_shared>> -> memref<640x128xf32, #tpu.memory_space<vmem_shared>>
        tpu.enqueue_dma source(%dma_start3A_46 : memref<640x128xf32, #tpu.memory_space<vmem_shared>>) target(%dma_start3A_44 : memref<640x128xf32, #tpu.memory_space<hbm>>) target_semaphore(%run_scoped3A : memref<!tpu.dma_semaphore, #tpu.memory_space<semaphore_mem>>)
        %dma_wait3A_47 = arith.constant 128 : i32
        %dma_wait3A_48 = tpu.memref_slice %arg5[%mul3A_42, %dma_wait3A_47] : memref<10240x256xf32, #tpu.memory_space<hbm>> -> memref<640x128xf32, #tpu.memory_space<hbm>>
        %dma_wait3A_49 = arith.constant 0 : i32
        %dma_wait3A_50 = tpu.memref_slice %arg10[%mul3A_40, %dma_wait3A_49] : memref<10240x128xf32, #tpu.memory_space<vmem_shared>> -> memref<640x128xf32, #tpu.memory_space<vmem_shared>>
        tpu.wait_dma2 semaphore(%run_scoped3A : memref<!tpu.dma_semaphore, #tpu.memory_space<semaphore_mem>>) src(%dma_wait3A_50 : memref<640x128xf32, #tpu.memory_space<vmem_shared>>) dst(%dma_wait3A_48 : memref<640x128xf32, #tpu.memory_space<hbm>>)
        tpu.yield
      }) : () -> ()
    } else {
    }
    return
  }
}

module attributes {stable_mosaic.version = 14 : i64} {
  func.func @_pre_body(%arg0: i32, %arg1: memref<1000x256xf32, #tpu.memory_space<vmem>>, %arg2: memref<256x256xbf16, #tpu.memory_space<vmem>>, %arg3: memref<256x256xbf16, #tpu.memory_space<vmem>>, %arg4: memref<1000x128xi32, #tpu.memory_space<vmem>>, %arg5: memref<1000x128xi32, #tpu.memory_space<vmem>>, %arg6: memref<1000x128xi32, #tpu.memory_space<vmem>>, %arg7: memref<1000x128xi32, #tpu.memory_space<vmem>>) attributes {dimension_semantics = [#tpu.dimension_semantics<arbitrary>], iteration_bounds = array<i64: 10>, scalar_prefetch = 0 : i64, scratch_operands = 0 : i64, tpu.core_type = #tpu.core_type<tc>, window_params = [{transform_indices = @transform_0, window_bounds = array<i64: 1000, 256>}, {pipeline_mode = #tpu.pipeline_mode<synchronous>, transform_indices = @transform_1, window_bounds = array<i64: 256, 256>}, {pipeline_mode = #tpu.pipeline_mode<synchronous>, transform_indices = @transform_2, window_bounds = array<i64: 256, 256>}, {transform_indices = @transform_3, window_bounds = array<i64: 1000, 128>}, {transform_indices = @transform_4, window_bounds = array<i64: 1000, 128>}, {transform_indices = @transform_5, window_bounds = array<i64: 1000, 128>}, {transform_indices = @transform_6, window_bounds = array<i64: 1000, 128>}]} {
    %get3A = arith.constant 0 : index
    %get3A_0 = arith.constant 0 : index
    %get3A_1 = vector.load %arg1[%get3A, %get3A_0] : memref<1000x256xf32, #tpu.memory_space<vmem>>, vector<1000x256xf32>
    %convert_element_type3A = arith.truncf %get3A_1 : vector<1000x256xf32> to vector<1000x256xbf16>
    %get3A_2 = arith.constant 0 : index
    %get3A_3 = arith.constant 0 : index
    %get3A_4 = vector.load %arg2[%get3A_2, %get3A_3] : memref<256x256xbf16, #tpu.memory_space<vmem>>, vector<256x256xbf16>
    %dot_general3A = arith.constant dense<0.000000e+00> : vector<1000x256xf32>
    %dot_general3A_5 = tpu.matmul %convert_element_type3A, %get3A_4, %dot_general3A {dimension_numbers = #tpu.dot_dimension_numbers<[1], [0], [0], [1], [0, 0, 1, 1], [], []>, transpose_lhs_hint = false} : vector<1000x256xbf16>, vector<256x256xbf16>, vector<1000x256xf32> -> vector<1000x256xf32>
    %slice3A = vector.extract_strided_slice %dot_general3A_5 {offsets = [0, 0], sizes = [1000, 128], strides = [1, 1]} : vector<1000x256xf32> to vector<1000x128xf32>
    %bitcast_convert_type3A = tpu.bitcast %slice3A : vector<1000x128xf32> -> vector<1000x128xi32>
    %add3A = arith.constant 32767 : i32
    %add3A_6 = vector.broadcast %add3A : i32 to vector<1000x128xi32>
    %add3A_7 = arith.addi %bitcast_convert_type3A, %add3A_6 : vector<1000x128xi32>
    %shift_right_arithmetic3A = arith.constant 16 : i32
    %shift_right_arithmetic3A_8 = vector.broadcast %shift_right_arithmetic3A : i32 to vector<1000x128xi32>
    %shift_right_arithmetic3A_9 = arith.shrsi %bitcast_convert_type3A, %shift_right_arithmetic3A_8 : vector<1000x128xi32>
    %and3A = arith.constant 1 : i32
    %and3A_10 = vector.broadcast %and3A : i32 to vector<1000x128xi32>
    %and3A_11 = arith.andi %shift_right_arithmetic3A_9, %and3A_10 : vector<1000x128xi32>
    %add3A_12 = arith.addi %add3A_7, %and3A_11 : vector<1000x128xi32>
    %shift_right_arithmetic3A_13 = arith.constant 16 : i32
    %shift_right_arithmetic3A_14 = vector.broadcast %shift_right_arithmetic3A_13 : i32 to vector<1000x128xi32>
    %shift_right_arithmetic3A_15 = arith.shrsi %add3A_12, %shift_right_arithmetic3A_14 : vector<1000x128xi32>
    %and3A_16 = arith.constant 65535 : i32
    %and3A_17 = vector.broadcast %and3A_16 : i32 to vector<1000x128xi32>
    %and3A_18 = arith.andi %shift_right_arithmetic3A_15, %and3A_17 : vector<1000x128xi32>
    %slice3A_19 = vector.extract_strided_slice %dot_general3A_5 {offsets = [0, 128], sizes = [1000, 128], strides = [1, 1]} : vector<1000x256xf32> to vector<1000x128xf32>
    %bitcast_convert_type3A_20 = tpu.bitcast %slice3A_19 : vector<1000x128xf32> -> vector<1000x128xi32>
    %add3A_21 = arith.constant 32767 : i32
    %add3A_22 = vector.broadcast %add3A_21 : i32 to vector<1000x128xi32>
    %add3A_23 = arith.addi %bitcast_convert_type3A_20, %add3A_22 : vector<1000x128xi32>
    %shift_right_arithmetic3A_24 = arith.constant 16 : i32
    %shift_right_arithmetic3A_25 = vector.broadcast %shift_right_arithmetic3A_24 : i32 to vector<1000x128xi32>
    %shift_right_arithmetic3A_26 = arith.shrsi %bitcast_convert_type3A_20, %shift_right_arithmetic3A_25 : vector<1000x128xi32>
    %and3A_27 = arith.constant 1 : i32
    %and3A_28 = vector.broadcast %and3A_27 : i32 to vector<1000x128xi32>
    %and3A_29 = arith.andi %shift_right_arithmetic3A_26, %and3A_28 : vector<1000x128xi32>
    %add3A_30 = arith.addi %add3A_23, %and3A_29 : vector<1000x128xi32>
    %shift_right_arithmetic3A_31 = arith.constant 16 : i32
    %shift_right_arithmetic3A_32 = vector.broadcast %shift_right_arithmetic3A_31 : i32 to vector<1000x128xi32>
    %shift_right_arithmetic3A_33 = arith.shrsi %add3A_30, %shift_right_arithmetic3A_32 : vector<1000x128xi32>
    %and3A_34 = arith.constant 65535 : i32
    %and3A_35 = vector.broadcast %and3A_34 : i32 to vector<1000x128xi32>
    %and3A_36 = arith.andi %shift_right_arithmetic3A_33, %and3A_35 : vector<1000x128xi32>
    %shift_left3A = arith.constant 16 : i32
    %shift_left3A_37 = vector.broadcast %shift_left3A : i32 to vector<1000x128xi32>
    %shift_left3A_38 = arith.shli %and3A_36, %shift_left3A_37 : vector<1000x128xi32>
    %or3A = arith.ori %and3A_18, %shift_left3A_38 : vector<1000x128xi32>
    %get3A_39 = arith.constant 0 : index
    %get3A_40 = arith.constant 0 : index
    %get3A_41 = vector.load %arg3[%get3A_39, %get3A_40] : memref<256x256xbf16, #tpu.memory_space<vmem>>, vector<256x256xbf16>
    %dot_general3A_42 = arith.constant dense<0.000000e+00> : vector<1000x256xf32>
    %dot_general3A_43 = tpu.matmul %convert_element_type3A, %get3A_41, %dot_general3A_42 {dimension_numbers = #tpu.dot_dimension_numbers<[1], [0], [0], [1], [0, 0, 1, 1], [], []>, transpose_lhs_hint = false} : vector<1000x256xbf16>, vector<256x256xbf16>, vector<1000x256xf32> -> vector<1000x256xf32>
    %slice3A_44 = vector.extract_strided_slice %dot_general3A_43 {offsets = [0, 0], sizes = [1000, 128], strides = [1, 1]} : vector<1000x256xf32> to vector<1000x128xf32>
    %bitcast_convert_type3A_45 = tpu.bitcast %slice3A_44 : vector<1000x128xf32> -> vector<1000x128xi32>
    %add3A_46 = arith.constant 32767 : i32
    %add3A_47 = vector.broadcast %add3A_46 : i32 to vector<1000x128xi32>
    %add3A_48 = arith.addi %bitcast_convert_type3A_45, %add3A_47 : vector<1000x128xi32>
    %shift_right_arithmetic3A_49 = arith.constant 16 : i32
    %shift_right_arithmetic3A_50 = vector.broadcast %shift_right_arithmetic3A_49 : i32 to vector<1000x128xi32>
    %shift_right_arithmetic3A_51 = arith.shrsi %bitcast_convert_type3A_45, %shift_right_arithmetic3A_50 : vector<1000x128xi32>
    %and3A_52 = arith.constant 1 : i32
    %and3A_53 = vector.broadcast %and3A_52 : i32 to vector<1000x128xi32>
    %and3A_54 = arith.andi %shift_right_arithmetic3A_51, %and3A_53 : vector<1000x128xi32>
    %add3A_55 = arith.addi %add3A_48, %and3A_54 : vector<1000x128xi32>
    %shift_right_arithmetic3A_56 = arith.constant 16 : i32
    %shift_right_arithmetic3A_57 = vector.broadcast %shift_right_arithmetic3A_56 : i32 to vector<1000x128xi32>
    %shift_right_arithmetic3A_58 = arith.shrsi %add3A_55, %shift_right_arithmetic3A_57 : vector<1000x128xi32>
    %and3A_59 = arith.constant 65535 : i32
    %and3A_60 = vector.broadcast %and3A_59 : i32 to vector<1000x128xi32>
    %and3A_61 = arith.andi %shift_right_arithmetic3A_58, %and3A_60 : vector<1000x128xi32>
    %slice3A_62 = vector.extract_strided_slice %dot_general3A_43 {offsets = [0, 128], sizes = [1000, 128], strides = [1, 1]} : vector<1000x256xf32> to vector<1000x128xf32>
    %bitcast_convert_type3A_63 = tpu.bitcast %slice3A_62 : vector<1000x128xf32> -> vector<1000x128xi32>
    %add3A_64 = arith.constant 32767 : i32
    %add3A_65 = vector.broadcast %add3A_64 : i32 to vector<1000x128xi32>
    %add3A_66 = arith.addi %bitcast_convert_type3A_63, %add3A_65 : vector<1000x128xi32>
    %shift_right_arithmetic3A_67 = arith.constant 16 : i32
    %shift_right_arithmetic3A_68 = vector.broadcast %shift_right_arithmetic3A_67 : i32 to vector<1000x128xi32>
    %shift_right_arithmetic3A_69 = arith.shrsi %bitcast_convert_type3A_63, %shift_right_arithmetic3A_68 : vector<1000x128xi32>
    %and3A_70 = arith.constant 1 : i32
    %and3A_71 = vector.broadcast %and3A_70 : i32 to vector<1000x128xi32>
    %and3A_72 = arith.andi %shift_right_arithmetic3A_69, %and3A_71 : vector<1000x128xi32>
    %add3A_73 = arith.addi %add3A_66, %and3A_72 : vector<1000x128xi32>
    %shift_right_arithmetic3A_74 = arith.constant 16 : i32
    %shift_right_arithmetic3A_75 = vector.broadcast %shift_right_arithmetic3A_74 : i32 to vector<1000x128xi32>
    %shift_right_arithmetic3A_76 = arith.shrsi %add3A_73, %shift_right_arithmetic3A_75 : vector<1000x128xi32>
    %and3A_77 = arith.constant 65535 : i32
    %and3A_78 = vector.broadcast %and3A_77 : i32 to vector<1000x128xi32>
    %and3A_79 = arith.andi %shift_right_arithmetic3A_76, %and3A_78 : vector<1000x128xi32>
    %shift_left3A_80 = arith.constant 16 : i32
    %shift_left3A_81 = vector.broadcast %shift_left3A_80 : i32 to vector<1000x128xi32>
    %shift_left3A_82 = arith.shli %and3A_79, %shift_left3A_81 : vector<1000x128xi32>
    %or3A_83 = arith.ori %and3A_61, %shift_left3A_82 : vector<1000x128xi32>
    %swap3A = arith.constant 0 : index
    %swap3A_84 = arith.constant 0 : index
    %swap3A_85 = vector.load %arg4[%swap3A, %swap3A_84] : memref<1000x128xi32, #tpu.memory_space<vmem>>, vector<1000x128xi32>
    tpu.vector_store %arg4[%swap3A, %swap3A_84], %or3A {strides = array<i32>} : memref<1000x128xi32, #tpu.memory_space<vmem>>, vector<1000x128xi32>,
    %swap3A_86 = arith.constant 0 : index
    %swap3A_87 = arith.constant 0 : index
    %swap3A_88 = vector.load %arg6[%swap3A_86, %swap3A_87] : memref<1000x128xi32, #tpu.memory_space<vmem>>, vector<1000x128xi32>
    tpu.vector_store %arg6[%swap3A_86, %swap3A_87], %or3A {strides = array<i32>} : memref<1000x128xi32, #tpu.memory_space<vmem>>, vector<1000x128xi32>,
    %swap3A_89 = arith.constant 0 : index
    %swap3A_90 = arith.constant 0 : index
    %swap3A_91 = vector.load %arg5[%swap3A_89, %swap3A_90] : memref<1000x128xi32, #tpu.memory_space<vmem>>, vector<1000x128xi32>
    tpu.vector_store %arg5[%swap3A_89, %swap3A_90], %or3A_83 {strides = array<i32>} : memref<1000x128xi32, #tpu.memory_space<vmem>>, vector<1000x128xi32>,
    %swap3A_92 = arith.constant 0 : index
    %swap3A_93 = arith.constant 0 : index
    %swap3A_94 = vector.load %arg7[%swap3A_92, %swap3A_93] : memref<1000x128xi32, #tpu.memory_space<vmem>>, vector<1000x128xi32>
    tpu.vector_store %arg7[%swap3A_92, %swap3A_93], %or3A_83 {strides = array<i32>} : memref<1000x128xi32, #tpu.memory_space<vmem>>, vector<1000x128xi32>,
    return
  }
  func.func @transform_0(%arg0: i32) -> (i32, i32) {
    %c0_i32 = arith.constant 0 : i32
    %c0_i32_0 = arith.constant 0 : i32
    return %arg0, %c0_i32 : i32, i32
  }
  func.func @transform_1(%arg0: i32) -> (i32, i32) {
    %c0_i32 = arith.constant 0 : i32
    %c0_i32_0 = arith.constant 0 : i32
    %c0_i32_1 = arith.constant 0 : i32
    return %c0_i32, %c0_i32_0 : i32, i32
  }
  func.func @transform_2(%arg0: i32) -> (i32, i32) {
    %c0_i32 = arith.constant 0 : i32
    %c0_i32_0 = arith.constant 0 : i32
    %c0_i32_1 = arith.constant 0 : i32
    return %c0_i32, %c0_i32_0 : i32, i32
  }
  func.func @transform_3(%arg0: i32) -> (i32, i32) {
    %c0_i32 = arith.constant 0 : i32
    %c0_i32_0 = arith.constant 0 : i32
    return %arg0, %c0_i32 : i32, i32
  }
  func.func @transform_4(%arg0: i32) -> (i32, i32) {
    %c0_i32 = arith.constant 0 : i32
    %c0_i32_0 = arith.constant 0 : i32
    return %arg0, %c0_i32 : i32, i32
  }
  func.func @transform_5(%arg0: i32) -> (i32, i32) {
    %c0_i32 = arith.constant 0 : i32
    %c0_i32_0 = arith.constant 0 : i32
    return %arg0, %c0_i32 : i32, i32
  }
  func.func @transform_6(%arg0: i32) -> (i32, i32) {
    %c0_i32 = arith.constant 0 : i32
    %c0_i32_0 = arith.constant 0 : i32
    return %arg0, %c0_i32 : i32, i32
  }
}

module attributes {stable_mosaic.version = 14 : i64} {
  func.func @_edge_body(%arg0: i32, %arg1: memref<2000x128xi32, #tpu.memory_space<vmem>>, %arg2: memref<2000x128xi32, #tpu.memory_space<vmem>>, %arg3: memref<2000x16xf32, #tpu.memory_space<vmem>>, %arg4: memref<16x256xbf16, #tpu.memory_space<vmem>>, %arg5: memref<1x256xf32, #tpu.memory_space<vmem>>, %arg6: memref<256x256xbf16, #tpu.memory_space<vmem>>, %arg7: memref<1x256xf32, #tpu.memory_space<vmem>>, %arg8: memref<2000x256xf32, #tpu.memory_space<vmem>>) attributes {dimension_semantics = [#tpu.dimension_semantics<arbitrary>], iteration_bounds = array<i64: 80>, scalar_prefetch = 0 : i64, scratch_operands = 0 : i64, tpu.core_type = #tpu.core_type<tc>, window_params = [{transform_indices = @transform_0, window_bounds = array<i64: 2000, 128>}, {transform_indices = @transform_1, window_bounds = array<i64: 2000, 128>}, {transform_indices = @transform_2, window_bounds = array<i64: 2000, 16>}, {pipeline_mode = #tpu.pipeline_mode<synchronous>, transform_indices = @transform_3, window_bounds = array<i64: 16, 256>}, {pipeline_mode = #tpu.pipeline_mode<synchronous>, transform_indices = @transform_4, window_bounds = array<i64: 1, 256>}, {pipeline_mode = #tpu.pipeline_mode<synchronous>, transform_indices = @transform_5, window_bounds = array<i64: 256, 256>}, {pipeline_mode = #tpu.pipeline_mode<synchronous>, transform_indices = @transform_6, window_bounds = array<i64: 1, 256>}, {transform_indices = @transform_7, window_bounds = array<i64: 2000, 256>}]} {
    %get3A = arith.constant 0 : index
    %get3A_0 = arith.constant 0 : index
    %get3A_1 = vector.load %arg1[%get3A, %get3A_0] : memref<2000x128xi32, #tpu.memory_space<vmem>>, vector<2000x128xi32>
    %shift_left3A = arith.constant 16 : i32
    %shift_left3A_2 = vector.broadcast %shift_left3A : i32 to vector<2000x128xi32>
    %shift_left3A_3 = arith.shli %get3A_1, %shift_left3A_2 : vector<2000x128xi32>
    %bitcast_convert_type3A = tpu.bitcast %shift_left3A_3 : vector<2000x128xi32> -> vector<2000x128xf32>
    %and3A = arith.constant -65536 : i32
    %and3A_4 = vector.broadcast %and3A : i32 to vector<2000x128xi32>
    %and3A_5 = arith.andi %get3A_1, %and3A_4 : vector<2000x128xi32>
    %bitcast_convert_type3A_6 = tpu.bitcast %and3A_5 : vector<2000x128xi32> -> vector<2000x128xf32>
    %concatenate3A = tpu.concatenate %bitcast_convert_type3A, %bitcast_convert_type3A_6 in 1 : vector<2000x128xf32>, vector<2000x128xf32> -> vector<2000x256xf32>
    %get3A_7 = arith.constant 0 : index
    %get3A_8 = arith.constant 0 : index
    %get3A_9 = vector.load %arg2[%get3A_7, %get3A_8] : memref<2000x128xi32, #tpu.memory_space<vmem>>, vector<2000x128xi32>
    %shift_left3A_10 = arith.constant 16 : i32
    %shift_left3A_11 = vector.broadcast %shift_left3A_10 : i32 to vector<2000x128xi32>
    %shift_left3A_12 = arith.shli %get3A_9, %shift_left3A_11 : vector<2000x128xi32>
    %bitcast_convert_type3A_13 = tpu.bitcast %shift_left3A_12 : vector<2000x128xi32> -> vector<2000x128xf32>
    %and3A_14 = arith.constant -65536 : i32
    %and3A_15 = vector.broadcast %and3A_14 : i32 to vector<2000x128xi32>
    %and3A_16 = arith.andi %get3A_9, %and3A_15 : vector<2000x128xi32>
    %bitcast_convert_type3A_17 = tpu.bitcast %and3A_16 : vector<2000x128xi32> -> vector<2000x128xf32>
    %concatenate3A_18 = tpu.concatenate %bitcast_convert_type3A_13, %bitcast_convert_type3A_17 in 1 : vector<2000x128xf32>, vector<2000x128xf32> -> vector<2000x256xf32>
    %add3A = arith.addf %concatenate3A, %concatenate3A_18 : vector<2000x256xf32>
    %get3A_19 = arith.constant 0 : index
    %get3A_20 = arith.constant 0 : index
    %get3A_21 = vector.load %arg3[%get3A_19, %get3A_20] : memref<2000x16xf32, #tpu.memory_space<vmem>>, vector<2000x16xf32>
    %convert_element_type3A = arith.truncf %get3A_21 : vector<2000x16xf32> to vector<2000x16xbf16>
    %get3A_22 = arith.constant 0 : index
    %get3A_23 = arith.constant 0 : index
    %get3A_24 = vector.load %arg4[%get3A_22, %get3A_23] : memref<16x256xbf16, #tpu.memory_space<vmem>>, vector<16x256xbf16>
    %dot_general3A = arith.constant dense<0.000000e+00> : vector<2000x256xf32>
    %dot_general3A_25 = tpu.matmul %convert_element_type3A, %get3A_24, %dot_general3A {dimension_numbers = #tpu.dot_dimension_numbers<[1], [0], [0], [1], [0, 0, 1, 1], [], []>, transpose_lhs_hint = false} : vector<2000x16xbf16>, vector<16x256xbf16>, vector<2000x256xf32> -> vector<2000x256xf32>
    %add3A_26 = arith.addf %add3A, %dot_general3A_25 : vector<2000x256xf32>
    %get3A_27 = arith.constant 0 : index
    %get3A_28 = arith.constant 0 : index
    %get3A_29 = vector.load %arg5[%get3A_27, %get3A_28] : memref<1x256xf32, #tpu.memory_space<vmem>>, vector<1x256xf32>
    %add3A_30 = vector.broadcast %get3A_29 : vector<1x256xf32> to vector<2000x256xf32>
    %add3A_31 = arith.addf %add3A_26, %add3A_30 : vector<2000x256xf32>
    %neg3A = arith.constant 0.000000e+00 : f32
    %neg3A_32 = vector.broadcast %neg3A : f32 to vector<2000x256xf32>
    %neg3A_33 = arith.subf %neg3A_32, %add3A_31 : vector<2000x256xf32>
    %exp3A = math.exp %neg3A_33 : vector<2000x256xf32>
    %add3A_34 = arith.constant 1.000000e+00 : f32
    %add3A_35 = vector.broadcast %add3A_34 : f32 to vector<2000x256xf32>
    %add3A_36 = arith.addf %add3A_35, %exp3A : vector<2000x256xf32>
    %div3A = arith.constant 1.000000e+00 : f32
    %div3A_37 = vector.broadcast %div3A : f32 to vector<2000x256xf32>
    %div3A_38 = arith.divf %div3A_37, %add3A_36 : vector<2000x256xf32>
    %mul3A = arith.mulf %add3A_31, %div3A_38 : vector<2000x256xf32>
    %convert_element_type3A_39 = arith.truncf %mul3A : vector<2000x256xf32> to vector<2000x256xbf16>
    %get3A_40 = arith.constant 0 : index
    %get3A_41 = arith.constant 0 : index
    %get3A_42 = vector.load %arg6[%get3A_40, %get3A_41] : memref<256x256xbf16, #tpu.memory_space<vmem>>, vector<256x256xbf16>
    %dot_general3A_43 = arith.constant dense<0.000000e+00> : vector<2000x256xf32>
    %dot_general3A_44 = tpu.matmul %convert_element_type3A_39, %get3A_42, %dot_general3A_43 {dimension_numbers = #tpu.dot_dimension_numbers<[1], [0], [0], [1], [0, 0, 1, 1], [], []>, transpose_lhs_hint = false} : vector<2000x256xbf16>, vector<256x256xbf16>, vector<2000x256xf32> -> vector<2000x256xf32>
    %get3A_45 = arith.constant 0 : index
    %get3A_46 = arith.constant 0 : index
    %get3A_47 = vector.load %arg7[%get3A_45, %get3A_46] : memref<1x256xf32, #tpu.memory_space<vmem>>, vector<1x256xf32>
    %add3A_48 = vector.broadcast %get3A_47 : vector<1x256xf32> to vector<2000x256xf32>
    %add3A_49 = arith.addf %dot_general3A_44, %add3A_48 : vector<2000x256xf32>
    %neg3A_50 = arith.constant 0.000000e+00 : f32
    %neg3A_51 = vector.broadcast %neg3A_50 : f32 to vector<2000x256xf32>
    %neg3A_52 = arith.subf %neg3A_51, %add3A_49 : vector<2000x256xf32>
    %exp3A_53 = math.exp %neg3A_52 : vector<2000x256xf32>
    %add3A_54 = arith.constant 1.000000e+00 : f32
    %add3A_55 = vector.broadcast %add3A_54 : f32 to vector<2000x256xf32>
    %add3A_56 = arith.addf %add3A_55, %exp3A_53 : vector<2000x256xf32>
    %div3A_57 = arith.constant 1.000000e+00 : f32
    %div3A_58 = vector.broadcast %div3A_57 : f32 to vector<2000x256xf32>
    %div3A_59 = arith.divf %div3A_58, %add3A_56 : vector<2000x256xf32>
    %mul3A_60 = arith.mulf %add3A_49, %div3A_59 : vector<2000x256xf32>
    %swap3A = arith.constant 0 : index
    %swap3A_61 = arith.constant 0 : index
    %swap3A_62 = vector.load %arg8[%swap3A, %swap3A_61] : memref<2000x256xf32, #tpu.memory_space<vmem>>, vector<2000x256xf32>
    tpu.vector_store %arg8[%swap3A, %swap3A_61], %mul3A_60 {strides = array<i32>} : memref<2000x256xf32, #tpu.memory_space<vmem>>, vector<2000x256xf32>,
    return
  }
  func.func @transform_0(%arg0: i32) -> (i32, i32) {
    %c0_i32 = arith.constant 0 : i32
    %c0_i32_0 = arith.constant 0 : i32
    return %arg0, %c0_i32 : i32, i32
  }
  func.func @transform_1(%arg0: i32) -> (i32, i32) {
    %c0_i32 = arith.constant 0 : i32
    %c0_i32_0 = arith.constant 0 : i32
    return %arg0, %c0_i32 : i32, i32
  }
  func.func @transform_2(%arg0: i32) -> (i32, i32) {
    %c0_i32 = arith.constant 0 : i32
    %c0_i32_0 = arith.constant 0 : i32
    return %arg0, %c0_i32 : i32, i32
  }
  func.func @transform_3(%arg0: i32) -> (i32, i32) {
    %c0_i32 = arith.constant 0 : i32
    %c0_i32_0 = arith.constant 0 : i32
    %c0_i32_1 = arith.constant 0 : i32
    return %c0_i32, %c0_i32_0 : i32, i32
  }
  func.func @transform_4(%arg0: i32) -> (i32, i32) {
    %c0_i32 = arith.constant 0 : i32
    %c0_i32_0 = arith.constant 0 : i32
    %c0_i32_1 = arith.constant 0 : i32
    return %c0_i32, %c0_i32_0 : i32, i32
  }
  func.func @transform_5(%arg0: i32) -> (i32, i32) {
    %c0_i32 = arith.constant 0 : i32
    %c0_i32_0 = arith.constant 0 : i32
    %c0_i32_1 = arith.constant 0 : i32
    return %c0_i32, %c0_i32_0 : i32, i32
  }
  func.func @transform_6(%arg0: i32) -> (i32, i32) {
    %c0_i32 = arith.constant 0 : i32
    %c0_i32_0 = arith.constant 0 : i32
    %c0_i32_1 = arith.constant 0 : i32
    return %c0_i32, %c0_i32_0 : i32, i32
  }
  func.func @transform_7(%arg0: i32) -> (i32, i32) {
    %c0_i32 = arith.constant 0 : i32
    %c0_i32_0 = arith.constant 0 : i32
    return %arg0, %c0_i32 : i32, i32
  }
}

module attributes {stable_mosaic.version = 14 : i64} {
  func.func @_node_body(%arg0: i32, %arg1: memref<1000x256xf32, #tpu.memory_space<vmem>>, %arg2: memref<1000x256xf32, #tpu.memory_space<vmem>>, %arg3: memref<256x256xbf16, #tpu.memory_space<vmem>>, %arg4: memref<256x256xbf16, #tpu.memory_space<vmem>>, %arg5: memref<1x256xf32, #tpu.memory_space<vmem>>, %arg6: memref<256x256xbf16, #tpu.memory_space<vmem>>, %arg7: memref<1x256xf32, #tpu.memory_space<vmem>>, %arg8: memref<1000x256xf32, #tpu.memory_space<vmem>>) attributes {dimension_semantics = [#tpu.dimension_semantics<arbitrary>], iteration_bounds = array<i64: 10>, scalar_prefetch = 0 : i64, scratch_operands = 0 : i64, tpu.core_type = #tpu.core_type<tc>, window_params = [{transform_indices = @transform_0, window_bounds = array<i64: 1000, 256>}, {transform_indices = @transform_1, window_bounds = array<i64: 1000, 256>}, {pipeline_mode = #tpu.pipeline_mode<synchronous>, transform_indices = @transform_2, window_bounds = array<i64: 256, 256>}, {pipeline_mode = #tpu.pipeline_mode<synchronous>, transform_indices = @transform_3, window_bounds = array<i64: 256, 256>}, {pipeline_mode = #tpu.pipeline_mode<synchronous>, transform_indices = @transform_4, window_bounds = array<i64: 1, 256>}, {pipeline_mode = #tpu.pipeline_mode<synchronous>, transform_indices = @transform_5, window_bounds = array<i64: 256, 256>}, {pipeline_mode = #tpu.pipeline_mode<synchronous>, transform_indices = @transform_6, window_bounds = array<i64: 1, 256>}, {transform_indices = @transform_7, window_bounds = array<i64: 1000, 256>}]} {
    %get3A = arith.constant 0 : index
    %get3A_0 = arith.constant 0 : index
    %get3A_1 = vector.load %arg1[%get3A, %get3A_0] : memref<1000x256xf32, #tpu.memory_space<vmem>>, vector<1000x256xf32>
    %convert_element_type3A = arith.truncf %get3A_1 : vector<1000x256xf32> to vector<1000x256xbf16>
    %get3A_2 = arith.constant 0 : index
    %get3A_3 = arith.constant 0 : index
    %get3A_4 = vector.load %arg3[%get3A_2, %get3A_3] : memref<256x256xbf16, #tpu.memory_space<vmem>>, vector<256x256xbf16>
    %dot_general3A = arith.constant dense<0.000000e+00> : vector<1000x256xf32>
    %dot_general3A_5 = tpu.matmul %convert_element_type3A, %get3A_4, %dot_general3A {dimension_numbers = #tpu.dot_dimension_numbers<[1], [0], [0], [1], [0, 0, 1, 1], [], []>, transpose_lhs_hint = false} : vector<1000x256xbf16>, vector<256x256xbf16>, vector<1000x256xf32> -> vector<1000x256xf32>
    %get3A_6 = arith.constant 0 : index
    %get3A_7 = arith.constant 0 : index
    %get3A_8 = vector.load %arg2[%get3A_6, %get3A_7] : memref<1000x256xf32, #tpu.memory_space<vmem>>, vector<1000x256xf32>
    %convert_element_type3A_9 = arith.truncf %get3A_8 : vector<1000x256xf32> to vector<1000x256xbf16>
    %get3A_10 = arith.constant 0 : index
    %get3A_11 = arith.constant 0 : index
    %get3A_12 = vector.load %arg4[%get3A_10, %get3A_11] : memref<256x256xbf16, #tpu.memory_space<vmem>>, vector<256x256xbf16>
    %dot_general3A_13 = arith.constant dense<0.000000e+00> : vector<1000x256xf32>
    %dot_general3A_14 = tpu.matmul %convert_element_type3A_9, %get3A_12, %dot_general3A_13 {dimension_numbers = #tpu.dot_dimension_numbers<[1], [0], [0], [1], [0, 0, 1, 1], [], []>, transpose_lhs_hint = false} : vector<1000x256xbf16>, vector<256x256xbf16>, vector<1000x256xf32> -> vector<1000x256xf32>
    %add3A = arith.addf %dot_general3A_5, %dot_general3A_14 : vector<1000x256xf32>
    %get3A_15 = arith.constant 0 : index
    %get3A_16 = arith.constant 0 : index
    %get3A_17 = vector.load %arg5[%get3A_15, %get3A_16] : memref<1x256xf32, #tpu.memory_space<vmem>>, vector<1x256xf32>
    %add3A_18 = vector.broadcast %get3A_17 : vector<1x256xf32> to vector<1000x256xf32>
    %add3A_19 = arith.addf %add3A, %add3A_18 : vector<1000x256xf32>
    %neg3A = arith.constant 0.000000e+00 : f32
    %neg3A_20 = vector.broadcast %neg3A : f32 to vector<1000x256xf32>
    %neg3A_21 = arith.subf %neg3A_20, %add3A_19 : vector<1000x256xf32>
    %exp3A = math.exp %neg3A_21 : vector<1000x256xf32>
    %add3A_22 = arith.constant 1.000000e+00 : f32
    %add3A_23 = vector.broadcast %add3A_22 : f32 to vector<1000x256xf32>
    %add3A_24 = arith.addf %add3A_23, %exp3A : vector<1000x256xf32>
    %div3A = arith.constant 1.000000e+00 : f32
    %div3A_25 = vector.broadcast %div3A : f32 to vector<1000x256xf32>
    %div3A_26 = arith.divf %div3A_25, %add3A_24 : vector<1000x256xf32>
    %mul3A = arith.mulf %add3A_19, %div3A_26 : vector<1000x256xf32>
    %convert_element_type3A_27 = arith.truncf %mul3A : vector<1000x256xf32> to vector<1000x256xbf16>
    %get3A_28 = arith.constant 0 : index
    %get3A_29 = arith.constant 0 : index
    %get3A_30 = vector.load %arg6[%get3A_28, %get3A_29] : memref<256x256xbf16, #tpu.memory_space<vmem>>, vector<256x256xbf16>
    %dot_general3A_31 = arith.constant dense<0.000000e+00> : vector<1000x256xf32>
    %dot_general3A_32 = tpu.matmul %convert_element_type3A_27, %get3A_30, %dot_general3A_31 {dimension_numbers = #tpu.dot_dimension_numbers<[1], [0], [0], [1], [0, 0, 1, 1], [], []>, transpose_lhs_hint = false} : vector<1000x256xbf16>, vector<256x256xbf16>, vector<1000x256xf32> -> vector<1000x256xf32>
    %add3A_33 = arith.addf %get3A_1, %dot_general3A_32 : vector<1000x256xf32>
    %get3A_34 = arith.constant 0 : index
    %get3A_35 = arith.constant 0 : index
    %get3A_36 = vector.load %arg7[%get3A_34, %get3A_35] : memref<1x256xf32, #tpu.memory_space<vmem>>, vector<1x256xf32>
    %add3A_37 = vector.broadcast %get3A_36 : vector<1x256xf32> to vector<1000x256xf32>
    %add3A_38 = arith.addf %add3A_33, %add3A_37 : vector<1000x256xf32>
    %swap3A = arith.constant 0 : index
    %swap3A_39 = arith.constant 0 : index
    %swap3A_40 = vector.load %arg8[%swap3A, %swap3A_39] : memref<1000x256xf32, #tpu.memory_space<vmem>>, vector<1000x256xf32>
    tpu.vector_store %arg8[%swap3A, %swap3A_39], %add3A_38 {strides = array<i32>} : memref<1000x256xf32, #tpu.memory_space<vmem>>, vector<1000x256xf32>,
    return
  }
  func.func @transform_0(%arg0: i32) -> (i32, i32) {
    %c0_i32 = arith.constant 0 : i32
    %c0_i32_0 = arith.constant 0 : i32
    return %arg0, %c0_i32 : i32, i32
  }
  func.func @transform_1(%arg0: i32) -> (i32, i32) {
    %c0_i32 = arith.constant 0 : i32
    %c0_i32_0 = arith.constant 0 : i32
    return %arg0, %c0_i32 : i32, i32
  }
  func.func @transform_2(%arg0: i32) -> (i32, i32) {
    %c0_i32 = arith.constant 0 : i32
    %c0_i32_0 = arith.constant 0 : i32
    %c0_i32_1 = arith.constant 0 : i32
    return %c0_i32, %c0_i32_0 : i32, i32
  }
  func.func @transform_3(%arg0: i32) -> (i32, i32) {
    %c0_i32 = arith.constant 0 : i32
    %c0_i32_0 = arith.constant 0 : i32
    %c0_i32_1 = arith.constant 0 : i32
    return %c0_i32, %c0_i32_0 : i32, i32
  }
  func.func @transform_4(%arg0: i32) -> (i32, i32) {
    %c0_i32 = arith.constant 0 : i32
    %c0_i32_0 = arith.constant 0 : i32
    %c0_i32_1 = arith.constant 0 : i32
    return %c0_i32, %c0_i32_0 : i32, i32
  }
  func.func @transform_5(%arg0: i32) -> (i32, i32) {
    %c0_i32 = arith.constant 0 : i32
    %c0_i32_0 = arith.constant 0 : i32
    %c0_i32_1 = arith.constant 0 : i32
    return %c0_i32, %c0_i32_0 : i32, i32
  }
  func.func @transform_6(%arg0: i32) -> (i32, i32) {
    %c0_i32 = arith.constant 0 : i32
    %c0_i32_0 = arith.constant 0 : i32
    %c0_i32_1 = arith.constant 0 : i32
    return %c0_i32, %c0_i32_0 : i32, i32
  }
  func.func @transform_7(%arg0: i32) -> (i32, i32) {
    %c0_i32 = arith.constant 0 : i32
    %c0_i32_0 = arith.constant 0 : i32
    return %arg0, %c0_i32 : i32, i32
  }
}

</mosaic_0001>

<sc_bundles>
// kernel: kernel.10.cloned.1.call-start
scs
__scs_entry_jumppad:
0x0: {  	(pc) =	sbr.rel $0x88, $3  }
0x1: {  	(tag) =	ssettag $0x0;
	lr =	simm.s32 $0x1  }
0x2: {  	[smem:$0x3F96] =	sst lr;
	_ =	strace $0xD0000000  }
0x3: {  	_ = 	snop  }
0x4: {  	_ = 	snop  }
0x5: {  	_ = 	snop  }
0x6: {  	_ = 	snop  }
0x7: {  	_ = 	snop  }
__scs_overlays_trampoline_lowered:
0x8: {  	[smem:$0x3FA5] =	sst s0  }
0x9: {  	[smem:$0x3FA6] =	sst s1  }
0xa: {  	[smem:$0x3FA7] =	sst s2  }
0xb: {  	[smem:$0x3FA8] =	sst s3  }
0xc: {  	[smem:$0x3FA9] =	sst s4  }
0xd: {  	[smem:$0x3FAA] =	sst s5  }
0xe: {  	[smem:$0x3FAB] =	sst s6  }
0xf: {  	[smem:$0x3FAC] =	sst s7  }
0x10: {  	[smem:$0x3FAD] =	sst s8  }
0x11: {  	[smem:$0x3FAE] =	sst s9;
	s0 =	simm.s32 @!p0 $0x0  }
0x12: {  	s1 =	sld [smem:$0x3F94];
	s0 =	simm.s32 @p0 $0x1  }
0x13: {  	[smem:$0x3FAF] =	sst s0;
	s0 =	simm.s32 @!p1 $0x0  }
0x14: {  	s2 =	sld [smem:$0x3F93];
	s0 =	simm.s32 @p1 $0x1  }
0x15: {  	[smem:$0x3FB0] =	sst s0;
	s0 =	simm.s32 @!p2 $0x0  }
0x16: {  	s3 =	sld [smem:$0x3FDB];
	s0 =	simm.s32 @p2 $0x1  }
0x17: {  	s4 =	simm.s32 $0x1BF5;
	[smem:$0x3FB2] =	sst s0  }
0x18: {  	s0 =	sld [smem:$0x3F95];
	_ =	swait.ge [sflag:s4], $0x0  }
0x19: {  	s7 =	sld [smem:$0x3F96]  }
0x1a: {  	s8 =	sadd.s32 $0xFFFFE003, lr  }
0x1b: {  	s9 =	sadd.s32 $0xFFFFFEF7, lr;
	s5 =	simm.s32 $0xFFFFFFFF;
	p2 =	slt.u32 s8, $0xFFFFF086  }
0x1c: {  	p1 =	slt.u32 s9, $0xF7A;
	s5 =	simm.s32 @!p2 $0x0  }
0x1d: {  	s5 =	simm.s32 @p1 $0x1;
	p0 =	seq.s32 s7, s2  }
0x1e: {  	s7 =	smul.u32 @!p0 $0xF7A, s2;
	p2 =	seq.s32 @!p0 s5, $0x0  }
0x1f: {  	s9 =	smul.u32 $0xF7A, s1;
	s8 =	simm.s32 @!p0 $0x1BF5;
	p2 =	por !p2, p0  }
0x20: {  	[sflag:s8] =	ssyncset.s32 @!p0 $0xFFFFF086;
	s6 =	sadd.s32 @!p0 s3, s7;
	s7 =	simm.s32 @!p0 $0x108  }
0x21: {  	s3 =	sadd.s32 s3, s9;
	s6 =	sadd.s32 @!p0 $0x88, s6;
	s7 =	simm.s32 @p2 $0x1082  }
0x22: {  	[simem:s7], [sflag:s8] =	dma.local @!p0 [hbm:s6], $0xF7A  }
0x23: {  	s9 =	sor.u32 $0xD0000000, s2;
	s6 =	simm.s32 $0x108;
	_ =	swait.ge @!p0 [sflag:s8], $0x0  }
0x24: {  	s3 =	sadd.s32 $0x88, s3;
	s6 =	simm.s32 @!p1 $0x1082;
	[sflag:s4] =	ssyncset.s32 $0xFFFFF086  }
0x25: {  	[simem:s6], [sflag:s4] =	dma.local [hbm:s3], $0xF7A  }
0x26: {  	[smem:$0x3F96] =	sst s1;
	(tag) =	ssettag s2;
	_ =	strace s9  }
0x27: {  	s1 =	sld [smem:$0x3FA6]  }
0x28: {  	s2 =	sld [smem:$0x3FA7]  }
0x29: {  	s4 =	sld [smem:$0x3FA9]  }
0x2a: {  	p0 =	seq.s32 s5, $0x0;
	s5 =	sld [smem:$0x3FAA]  }
0x2b: {  	s6 =	sld [smem:$0x3FAB]  }
0x2c: {  	s7 =	sld [smem:$0x3FAC]  }
0x2d: {  	s3 =	simm.s32 $0x108;
	s8 =	sld [smem:$0x3FAD]  }
0x2e: {  	s3 =	simm.s32 @!p0 $0x1082;
	s9 =	sld [smem:$0x3FAE]  }
0x2f: {  	lr =	sadd.s32 s0, s3;
	s0 =	sld [smem:$0x3FA5]  }
0x30: {  	s3 =	sld [smem:$0x3FA8]  }
0x31: {  	[smem:$0x3FB1] =	sst s10  }
0x32: {  	s10 =	sld [smem:$0x3FAF];
	_ =	sdelay $0x3  }
0x33: {  	p0 =	seq.s32 s10, $0x1;
	s10 =	sld [smem:$0x3FB1];
	_ =	sdelay $0x3  }
0x34: {  	[smem:$0x3FB1] =	sst s10  }
0x35: {  	s10 =	sld [smem:$0x3FB0];
	_ =	sdelay $0x3  }
0x36: {  	p1 =	seq.s32 s10, $0x1;
	s10 =	sld [smem:$0x3FB1];
	_ =	sdelay $0x3  }
0x37: {  	[smem:$0x3FB1] =	sst s10  }
0x38: {  	s10 =	sld [smem:$0x3FB2]  }
0x39: {  	_ = 	snop;
	(pc) =	sbr.ind lr, $3  }
0x3a: {  	_ = 	snop  }
0x3b: {  	_ = 	snop  }
0x3c: {  	p2 =	seq.s32 s10, $0x1;
	s10 =	sld [smem:$0x3FB1]  }
0x3d: {  	_ =	shalt  }
0x3e: {  	_ =	shalt  }
0x3f: {  	_ =	shalt  }
0x40: {  	_ =	shalt  }
0x41: {  	_ =	shalt  }
0x42: {  	_ =	shalt  }
0x43: {  	_ =	shalt  }
0x44: {  	_ =	shalt  }
0x45: {  	_ =	shalt  }
0x46: {  	_ =	shalt  }
0x47: {  	_ =	shalt  }
0x48: {  	_ =	shalt  }
0x49: {  	_ =	shalt  }
0x4a: {  	_ =	shalt  }
0x4b: {  	_ =	shalt  }
0x4c: {  	_ =	shalt  }
0x4d: {  	_ =	shalt  }
0x4e: {  	_ =	shalt  }
0x4f: {  	_ =	shalt  }
0x50: {  	_ =	shalt  }
0x51: {  	_ =	shalt  }
0x52: {  	_ =	shalt  }
0x53: {  	_ =	shalt  }
0x54: {  	_ =	shalt  }
0x55: {  	_ =	shalt  }
0x56: {  	_ =	shalt  }
0x57: {  	_ =	shalt  }
0x58: {  	_ =	shalt  }
0x59: {  	_ =	shalt  }
0x5a: {  	_ =	shalt  }
0x5b: {  	_ =	shalt  }
0x5c: {  	_ =	shalt  }
0x5d: {  	_ =	shalt  }
0x5e: {  	_ =	shalt  }
0x5f: {  	_ =	shalt  }
0x60: {  	_ =	shalt  }
0x61: {  	_ =	shalt  }
0x62: {  	_ =	shalt  }
0x63: {  	_ =	shalt  }
0x64: {  	_ =	shalt  }
0x65: {  	_ =	shalt  }
0x66: {  	_ =	shalt  }
0x67: {  	_ =	shalt  }
0x68: {  	_ =	shalt  }
0x69: {  	_ =	shalt  }
0x6a: {  	_ =	shalt  }
0x6b: {  	_ =	shalt  }
0x6c: {  	_ =	shalt  }
0x6d: {  	_ =	shalt  }
0x6e: {  	_ =	shalt  }
0x6f: {  	_ =	shalt  }
0x70: {  	_ =	shalt  }
0x71: {  	_ =	shalt  }
0x72: {  	_ =	shalt  }
0x73: {  	_ =	shalt  }
0x74: {  	_ =	shalt  }
0x75: {  	_ =	shalt  }
0x76: {  	_ =	shalt  }
0x77: {  	_ =	shalt  }
0x78: {  	_ =	shalt  }
0x79: {  	_ =	shalt  }
0x7a: {  	_ =	shalt  }
0x7b: {  	_ =	shalt  }
0x7c: {  	_ =	shalt  }
0x7d: {  	_ =	shalt  }
0x7e: {  	_ =	shalt  }
0x7f: {  	_ =	shalt  }
0x80: {  	_ =	shalt  }
0x81: {  	_ =	shalt  }
0x82: {  	_ =	shalt  }
0x83: {  	_ =	shalt  }
0x84: {  	_ =	shalt  }
0x85: {  	_ =	shalt  }
0x86: {  	_ =	shalt  }
0x87: {  	_ =	shalt  }
.Lfunc_end0:
.L_simem_size_0:
called_computation.1_lowered:
.L_overlay_start_0:
0x88: {  	s2 =	sld [smem:$0x3FD9]  }
0x89: {  	s3 =	sld [smem:$0x3FFE];
	_ =	sdelay $0x1  }
0x8a: {  	s1 =	srdreg.scid  }
0x8b: {  	s0 =	sand.u32 $0x1, s1  }
0x8c: {  	s14 =	sshll.u32 s0, $0xA;
	s2 =	sadd.s32 s3, s2  }
0x8d: {  	s2 =	sadd.s32 s2, s14  }
0x8e: {  	[smem:$0x3FBD] =	sst s2  }
0x8f: {  	_ = 	snop  }
0x90: {  	s2 =	sld [smem:$0x3FD0];
	_ =	sdelay $0x2  }
0x91: {  	s15 =	simm.s32 $0xA;
	s4 =	simm.s32 $0x10  }
0x92: {  	[smem:s4], [sflag:s15] =	dma.local [hbm:s2], $0x1  }
0x93: {  	_ =	swait.eq [sflag:s15], $0x1  }
0x94: {  	[sflag:s15] =	ssyncset.done $0x0  }
0x95: {  	s16 =	sld [smem:$0x10];
	[sflag:s15] =	ssyncadd.s32 $0xFFFFFFFF  }
0x96: {  	s17 =	sld [smem:$0x11];
	(tm) =	ssettm $0x1  }
0x97: {  	s18 =	sld [smem:$0x3FFB];
	_ =	sdelay $0x3  }
0x98: {  	_ =	strace s18  }
0x99: {  	s4 =	sld [smem:$0x3FFC];
	_ =	sdelay $0x3  }
0x9a: {  	_ =	strace s4  }
0x9b: {  	s4 =	sld [smem:$0x3FFD];
	_ =	sdelay $0x3  }
0x9c: {  	_ =	strace s4  }
0x9d: {  	_ =	strace $0x8FFFFFFF  }
0x9e: {  	s19 =	sld [smem:$0x3FDB];
	_ =	sdelay $0x1  }
0x9f: {  	s5 =	simm.s32 $_scs_section_size  }
0xa0: {  	s6 =	simm.s32 $_size__tile_overlayer_lowered;
	s7 =	simm.s32 $_tile_overlayer_lowered  }
0xa1: {  	s22 =	simm.s32 $0x1BFF;
	s21 =	sshll.u32 s7, $0x1;
	s4 =	sadd.s32 s5, s19  }
0xa2: {  	s8 =	simm.s32 $0x0;
	s20 =	sshll.u32 s6, $0x1;
	s6 =	sadd.s32 s21, s4  }
0xa3: {  	[timem:s8], [sflag:s22] =	dma.local [hbm:s6], s20  }
0xa4: {  	_ =	swait.ge [sflag:s22], s20  }
0xa5: {  	s5 =	ssub.s32 $0x0, s20;
	[sflag:s22] =	ssyncset.done $0x0  }
0xa6: {  	[sflag:s22] =	ssyncadd.s32 s5;
	_ =	sdelay $0x1  }
0xa7: {  	s23 =	simm.s32 $0x1B8B  }
0xa8: {  	_ =	swait.ge [sflag:s23], $0x1  }
0xa9: {  	[sflag:s23] =	ssyncset.done $0x0  }
0xaa: {  	s25 =	simm.s32 $0x1B8E;
	s24 =	sld [smem:$0x3FFE];
	[sflag:s23] =	ssyncadd.s32 $0xFFFFFFFF  }
0xab: {  	s26 =	simm.s32 $execute0_lowered;
	[smem:$0x3FD2] =	sst s25  }
0xac: {  	s6 =	sshll.u32 s26, $0x1;
	_ =	strace $0x80000049;
	[dreg:$0x1] =	wrdreg $0xFFFFFFFF  }
0xad: {  	s28 =	simm.s32 $_size_execute0_lowered;
	s4 =	sadd.s32 s4, s6;
	[dreg:$0x0] =	wrdreg $0x0  }
0xae: {  	s6 =	sshll.u32 s28, $0x1;
	[dreg:$0x2] =	wrdreg s4  }
0xaf: {  	[dreg:$0x3] =	wrdreg s6  }
0xb0: {  	[dreg:$0x4] =	wrdreg $0xC0  }
0xb1: {  	_ =	task [dreg:s8], $0x5FFFF  }
0xb2: {  	[dreg:$0x1] =	wrdreg $0xFFFFFFFF  }
0xb3: {  	[dreg:$0x0] =	wrdreg $0x60  }
0xb4: {  	[dreg:$0x2] =	wrdreg s17  }
0xb5: {  	[dreg:$0x3] =	wrdreg s24  }
0xb6: {  	[dreg:$0x4] =	wrdreg s16  }
0xb7: {  	[dreg:$0x5] =	wrdreg $0x51000  }
0xb8: {  	[dreg:$0x6] =	wrdreg $0x9  }
0xb9: {  	_ =	task.clear_ibuf [dreg:s8], $0x7FFFF;
	_ =	strace $0x90000049  }
0xba: {  	s29 =	simm.s32 $0x9;
	_ =	strace $0x8000004B  }
0xbb: {  	_ =	swait.ge [sflag:s29], $0x1  }
0xbc: {  	[sflag:s29] =	ssyncadd.s32 $0xFFFFFFFF  }
0xbd: {  	_ =	strace $0x9000004B  }
0xbe: {  	_ =	sfence  }
0xbf: {  	s30 =	sld [smem:$0x0];
	_ =	sdelay $0x2  }
0xc0: {  	s31 =	sshll.u32 s1, $0xD;
	s1 =	sshrl.u32 s1, $0x2  }
0xc1: {  	s3 =	sand.u32 $0x4000, s31;
	s1 =	sadd.s32 s1, s30  }
0xc2: {  	s0 =	sor.u32 s3, s0;
	s1 =	sshll.u32 s1, $0x11  }
0xc3: {  	s0 =	sor.u32 s1, s0  }
0xc4: {  	s0 =	sadd.s32 $0x8F2B, s0  }
0xc5: {  	[sflag:s0] =	ssyncadd.remote.s32 $0x1  }
0xc6: {  	_ =	sfence.sel $0xFFFF  }
0xc7: {  	[dreg:$0x0] =	wrdreg $0xFFFFFFFF;
	(pc) =	sbr.abs _section_cstart, $3  }
0xc8: {  	[dreg:$0x1] =	wrdreg $0xFFFFFFFF  }
0xc9: {  	_ =	task.clear_ibuf [dreg:s8], $0x2FFFF;
	_ =	strace $0x9FFFFFFF  }
0xca: {  	(tm) =	ssettm $0x7FFFFFFF  }
0xcb: {  	_ =	shalt  }
tec
execute0_lowered:
.L_overlay_start_1:
0x0: {  	(tag) =	ssettag $0x1  }
0x1: {  	s0 =	rddreg [dreg:$0x0]  }
0x2: {  	s1 =	rddreg [dreg:$0x1]  }
0x3: {  	s3 =	rddreg [dreg:$0x3];
	s4 =	simm.s32 $0x0;
	s14 =	stileid.u32  }
0x4: {  	s5 =	srdreg.scid;
	s17 =	simm.s32 $0x7;
	s18 =	simm.s32 $0x400  }
0x5: {  	s19 =	simm.s32 $0x800;
	s28 =	simm.s32 $0x2;
	s2 =	smul.u32 $0x5000, s14  }
0x6: {  	s29 =	simm.s32 $0x4;
	s30 =	simm.s32 $0x6;
	s20 =	smul.u32 $0x50000, s14  }
0x7: {  	s31 =	simm.s32 $0x8;
	[smem:$0x7FF] =	sst s4;
	s8 =	smul.u32 $0x2710, s14  }
0x8: {  	s6 =	sand.u32 $0x1, s5;
	s9 =	sadd.s32 $0x3200, s1;
	s11 =	smul.u32 $0x4E200, s14  }
0x9: {  	s22 =	sshll.u32 s14, $0x6;
	s13 =	sadd.s32 $0x80, s0;
	s14 =	smul.u32 $0x4E2, s14  }
0xa: {  	_ =	strace $0x8000004A;
	s21 =	ssub.s32 $0x2, s6;
	p0 =	seq.s32 s6, $0x1  }
0xb: {  	s1 =	sadd.s32 s2, s1;
	s7 =	sshrl.u32 s21, $0x1;
	s5 =	sshrl.u32 s20, $0x2  }
0xc: {  	s10 =	sadd.s32 $0x50, s8;
	s23 =	sshrl.u32 s8, $0x3;
	s25 =	sadd.s32 s11, s13  }
0xd: {  	s26 =	sadd.s32 s14, s9;
	s20 =	simm.s32 $0x100;
	s2 =	ssub.s32 s21, s7  }
0xe: {  	s16 =	sadd.s32 s5, s3;
	s5 =	sor.u32 $0x1C07, s22;
	s24 =	sshrl.u32 s10, $0x3  }
0xf: {  	s6 =	sadd.s32 s9, s23;
	s7 =	sadd.s32 s0, s11;
	s12 =	sshll.u32 s10, $0x5  }
0x10: {  	s10 =	sadd.s32 $0x8200, s1;
	[dreg:$0x6] =	wrdreg s25;
	s15 =	sadd.s32 $0x14, s26  }
.Ltmp0:
0x11: {  	s21 =	simm.s32 $0x80;
	s22 =	simm.s32 $0x2900;
	(pc) =	sbr.rel .LBB2_1-.Ltmp0, $4  }
0x12: {  	s23 =	simm.s32 $0x1;
	s25 =	simm.s32 $0x50;
	s26 =	simm.s32 $0x5  }
0x13: {  	s8 =	sadd.s32 s9, s24;
	s0 =	sadd.s32 s0, s12;
	s12 =	sadd.s32 s12, s13  }
0x14: {  	s13 =	sadd.s32 $0x8280, s1;
	s14 =	smax.u32 s2, $0x1;
	s16 =	sshrl.u32 s16, $0x3  }
0x15: {  	s24 =	simm.s32 $0x3;
	[dreg:$0x5] =	wrdreg s0;
	s0 =	simm.s32 $0x0  }
.LBB2_7:
0x16: {  	[tilespmem:s22], [sflag:$0x4] =	stream.strided.gather [hbm4b:s9+s18], $0x2800, s19, s18, $0x38;
	[tilespmem:$0x19100] =	vst v63  }
0x17: {  	_ =	swait.ge [sflag:s23], $0x50  }
0x18: {  	[sflag:s23] =	ssyncset.done $0x0  }
0x19: {  	[sflag:s23] =	ssyncadd.s32 $0xFFFFFFB0  }
0x1a: {  	_ =	swait.ge [sflag:s24], $0x2800  }
0x1b: {  	[sflag:s24] =	ssyncset.done $0x0  }
0x1c: {  	[sflag:s24] =	ssyncadd.s32 $0xFFFFD800  }
0x1d: {  	[spmem:s3] =	stream.indirect.scatter.add.f32 [tilespmem:s20], [sflag:$0x5], $0x80, s4, s25, $0xb8;
	[tilespmem:$0x19100] =	vst v63  }
0x1e: {  	_ =	swait.ge [sflag:s26], $0x2800  }
0x1f: {  	[sflag:s26] =	ssyncset.done $0x0  }
0x20: {  	s11 =	sadd.s32 s2, s7;
	[sflag:s26] =	ssyncadd.s32 $0xFFFFD800  }
0x21: {  	[tilespmem:s4], [sflag:$0x1] =	stream.linear.gather [hbm4b:s1+s4], $0x50, $0x38;
	[tilespmem:$0x19100] =	vst v63  }
0x22: {  	s1 =	sadd.s32 $0x1480, s11  }
0x23: {  	[tilespmem:s20], [sflag:$0x3] =	stream.strided.gather [hbm4b:s1+s18], $0x2800, s19, s18, $0x38;
	[tilespmem:$0x19100] =	vst v63  }
0x24: {  	_ =	swait.ge [sflag:s28], $0x50  }
0x25: {  	[sflag:s28] =	ssyncset.done $0x0  }
0x26: {  	[sflag:s28] =	ssyncadd.s32 $0xFFFFFFB0  }
0x27: {  	_ =	swait.ge [sflag:s29], $0x2800  }
0x28: {  	[sflag:s29] =	ssyncset.done $0x0  }
0x29: {  	s1 =	smov.u32 s13;
	[sflag:s29] =	ssyncadd.s32 $0xFFFFD800  }
0x2a: {  	[spmem:s3] =	stream.indirect.scatter.add.f32 [tilespmem:s22], [sflag:$0x6], $0x80, s21, s25, $0xb8;
	[tilespmem:$0x19100] =	vst v63  }
.LBB2_8:
0x2b: {  	_ =	swait.ge [sflag:s23], $0x50  }
0x2c: {  	[sflag:s23] =	ssyncset.done $0x0  }
0x2d: {  	[sflag:s23] =	ssyncadd.s32 $0xFFFFFFB0  }
0x2e: {  	_ =	swait.ge [sflag:s24], $0x2800  }
0x2f: {  	[sflag:s24] =	ssyncset.done $0x0  }
0x30: {  	[sflag:s24] =	ssyncadd.s32 $0xFFFFD800  }
0x31: {  	[spmem:s3] =	stream.indirect.scatter.add.f32 [tilespmem:s20], [sflag:$0x5], $0x80, s4, s25, $0xb8;
	[tilespmem:$0x19100] =	vst v63  }
0x32: {  	_ =	swait.ge [sflag:s30], $0x2800  }
0x33: {  	[sflag:s30] =	ssyncset.done $0x0  }
0x34: {  	[sflag:s30] =	ssyncadd.s32 $0xFFFFD800  }
0x35: {  	_ =	swait.ge [sflag:s26], $0x2800  }
0x36: {  	s0 =	sadd.s32 $0x1, s0;
	[sflag:s26] =	ssyncset.done $0x0  }
0x37: {  	p1 =	sne.s32 s0, s14;
	[sflag:s26] =	ssyncadd.s32 $0xFFFFD800  }
.Ltmp1:
0x38: {  	[bflag:$0x0] =	sbarrier.arrive $0xFFFF;
	(pc) =	sbr.rel @!p1 .LBB2_9-.Ltmp1, $4  }
0x39: {  	[hbm:s1@s20], [sflag:s5] =	dma.strided [spmem:s16@s21], $0x2800, s31, $0x10   }
0x3a: {  	_ =	swait.ge [sflag:s17], $0x2800  }
0x3b: {  	[sflag:s17] =	ssyncset.done $0x0  }
0x3c: {  	[sflag:s17] =	ssyncadd.s32 $0xFFFFD800  }
.LBB2_1:
0x3d: {  	s1 =	rddreg [dreg:$0x2]  }
0x3e: {  	[spmem:s16], [sflag:s5] =	dma.local [hbm:s1], $0x2800  }
.Ltmp2:
0x3f: {  	_ =	swait.ge [sflag:s17], $0x2800;
	(pc) =	sbr.rel @!p0 .LBB2_2-.Ltmp2, $4  }
0x40: {  	[sflag:s17] =	ssyncset.done $0x0  }
0x41: {  	[sflag:s17] =	ssyncadd.s32 $0xFFFFD800  }
0x42: {  	[bflag:$0x0] =	sbarrier.arrive $0xFFFF  }
0x43: {  	[tilespmem:s4], [sflag:$0x1] =	stream.linear.gather [hbm4b:s6+s4], $0x50, $0x38;
	[tilespmem:$0x19100] =	vst v63  }
0x44: {  	s1 =	rddreg [dreg:$0x6]  }
0x45: {  	[tilespmem:s20], [sflag:$0x3] =	stream.strided.gather [hbm4b:s1+s18], $0x2800, s19, s18, $0x38;
	[tilespmem:$0x19100] =	vst v63  }
0x46: {  	s2 =	simm.s32 $0x0  }
0x47: {  	[tilespmem:s21], [sflag:$0x2] =	stream.linear.gather [hbm4b:s8+s2], $0x50, $0x38;
	[tilespmem:$0x19100] =	vst v63  }
0x48: {  	_ = 	snop  }
0x49: {  	[tilespmem:s22], [sflag:$0x4] =	stream.strided.gather [hbm4b:s12+s18], $0x2800, s19, s18, $0x38;
	[tilespmem:$0x19100] =	vst v63  }
0x4a: {  	_ =	swait.ge [sflag:s23], $0x50  }
0x4b: {  	[sflag:s23] =	ssyncset.done $0x0  }
0x4c: {  	[sflag:s23] =	ssyncadd.s32 $0xFFFFFFB0  }
0x4d: {  	_ =	swait.ge [sflag:s24], $0x2800  }
0x4e: {  	[sflag:s24] =	ssyncset.done $0x0  }
0x4f: {  	[sflag:s24] =	ssyncadd.s32 $0xFFFFD800  }
0x50: {  	[spmem:s3] =	stream.indirect.scatter.add.f32 [tilespmem:s20], [sflag:$0x5], $0x80, s4, s25, $0xb8;
	[tilespmem:$0x19100] =	vst v63  }
0x51: {  	_ =	swait.ge [sflag:s26], $0x2800  }
0x52: {  	[sflag:s26] =	ssyncset.done $0x0  }
0x53: {  	s9 =	sadd.s32 $0x0, s7;
	[sflag:s26] =	ssyncadd.s32 $0xFFFFD800  }
0x54: {  	[tilespmem:s4], [sflag:$0x1] =	stream.linear.gather [hbm4b:s15+s4], $0x50, $0x38;
	[tilespmem:$0x19100] =	vst v63  }
0x55: {  	s2 =	sadd.s32 $0x1480, s9  }
0x56: {  	[tilespmem:s20], [sflag:$0x3] =	stream.strided.gather [hbm4b:s2+s18], $0x2800, s19, s18, $0x38;
	[tilespmem:$0x19100] =	vst v63  }
0x57: {  	_ =	swait.ge [sflag:s28], $0x50  }
0x58: {  	[sflag:s28] =	ssyncset.done $0x0  }
0x59: {  	[sflag:s28] =	ssyncadd.s32 $0xFFFFFFB0  }
0x5a: {  	_ =	swait.ge [sflag:s29], $0x2800  }
0x5b: {  	[sflag:s29] =	ssyncset.done $0x0  }
0x5c: {  	[sflag:s29] =	ssyncadd.s32 $0xFFFFD800  }
0x5d: {  	[spmem:s3] =	stream.indirect.scatter.add.f32 [tilespmem:s22], [sflag:$0x6], $0x80, s21, s25, $0xb8;
	[tilespmem:$0x19100] =	vst v63  }
0x5e: {  	_ =	swait.ge [sflag:s30], $0x2800  }
0x5f: {  	s11 =	sadd.s32 $0xA, s15;
	s1 =	sadd.s32 $0x14, s15;
	[sflag:s30] =	ssyncset.done $0x0  }
0x60: {  	s9 =	sadd.s32 $0x1E80, s9;
	s2 =	simm.s32 $0x1400;
	[sflag:s30] =	ssyncadd.s32 $0xFFFFD800  }
0x61: {  	[tilespmem:s21], [sflag:$0x2] =	stream.linear.gather [hbm4b:s11+s4], $0x50, $0x38;
	[tilespmem:$0x19100] =	vst v63  }
.LBB2_6:
0x62: {  	[tilespmem:s22], [sflag:$0x4] =	stream.strided.gather [hbm4b:s9+s18], $0x2800, s19, s18, $0x38;
	[tilespmem:$0x19100] =	vst v63  }
0x63: {  	s9 =	smov.u32 s2;
	s2 =	sadd.s32 $0x1400, s2;
	_ =	swait.ge [sflag:s23], $0x50  }
0x64: {  	p1 =	sne.s32 s2, $0x4C400;
	[sflag:s23] =	ssyncset.done $0x0  }
0x65: {  	[sflag:s23] =	ssyncadd.s32 $0xFFFFFFB0  }
0x66: {  	_ =	swait.ge [sflag:s24], $0x2800  }
0x67: {  	[sflag:s24] =	ssyncset.done $0x0  }
0x68: {  	[sflag:s24] =	ssyncadd.s32 $0xFFFFD800  }
0x69: {  	[spmem:s3] =	stream.indirect.scatter.add.f32 [tilespmem:s20], [sflag:$0x5], $0x80, s4, s25, $0xb8;
	[tilespmem:$0x19100] =	vst v63  }
0x6a: {  	_ =	swait.ge [sflag:s26], $0x2800  }
0x6b: {  	[sflag:s26] =	ssyncset.done $0x0  }
0x6c: {  	s9 =	sadd.s32 s9, s7;
	[sflag:s26] =	ssyncadd.s32 $0xFFFFD800  }
0x6d: {  	[tilespmem:s4], [sflag:$0x1] =	stream.linear.gather [hbm4b:s1+s4], $0x50, $0x38;
	[tilespmem:$0x19100] =	vst v63  }
0x6e: {  	s11 =	sadd.s32 $0x1480, s9  }
0x6f: {  	[tilespmem:s20], [sflag:$0x3] =	stream.strided.gather [hbm4b:s11+s18], $0x2800, s19, s18, $0x38;
	[tilespmem:$0x19100] =	vst v63  }
0x70: {  	_ =	swait.ge [sflag:s28], $0x50  }
0x71: {  	[sflag:s28] =	ssyncset.done $0x0  }
0x72: {  	[sflag:s28] =	ssyncadd.s32 $0xFFFFFFB0  }
0x73: {  	_ =	swait.ge [sflag:s29], $0x2800  }
0x74: {  	[sflag:s29] =	ssyncset.done $0x0  }
0x75: {  	[sflag:s29] =	ssyncadd.s32 $0xFFFFD800  }
0x76: {  	[spmem:s3] =	stream.indirect.scatter.add.f32 [tilespmem:s22], [sflag:$0x6], $0x80, s21, s25, $0xb8;
	[tilespmem:$0x19100] =	vst v63  }
.Ltmp3:
0x77: {  	_ =	swait.ge [sflag:s30], $0x2800;
	(pc) =	sbr.rel @p1 .LBB2_6-.Ltmp3, $4  }
0x78: {  	[sflag:s30] =	ssyncset.done $0x0  }
0x79: {  	s11 =	sadd.s32 $0xA, s1;
	[sflag:s30] =	ssyncadd.s32 $0xFFFFD800  }
0x7a: {  	[tilespmem:s21], [sflag:$0x2] =	stream.linear.gather [hbm4b:s11+s4], $0x50, $0x38;
	[tilespmem:$0x19100] =	vst v63  }
0x7b: {  	s9 =	sadd.s32 $0x1E80, s9;
	s1 =	sadd.s32 $0x14, s1  }
.Ltmp4:
0x7c: {  	_ = 	snop;
	(pc) =	sbr.rel .LBB2_7-.Ltmp4, $1  }
0x7d: {  	_ =	sdelay $0x3  }
.LBB2_2:
0x7e: {  	[tilespmem:s20], [sflag:$0x3] =	stream.strided.gather [hbm4b:s7+s18], $0x2800, s19, s18, $0x38;
	[tilespmem:$0x19100] =	vst v63  }
0x7f: {  	s1 =	simm.s32 $0x0  }
0x80: {  	[tilespmem:s21], [sflag:$0x2] =	stream.linear.gather [hbm4b:s8+s1], $0x50, $0x38;
	[tilespmem:$0x19100] =	vst v63  }
0x81: {  	s2 =	rddreg [dreg:$0x5]  }
0x82: {  	[tilespmem:s22], [sflag:$0x4] =	stream.strided.gather [hbm4b:s2+s18], $0x2800, s19, s18, $0x38;
	[tilespmem:$0x19100] =	vst v63  }
0x83: {  	_ =	swait.ge [sflag:s23], $0x50  }
0x84: {  	[sflag:s23] =	ssyncset.done $0x0  }
0x85: {  	[sflag:s23] =	ssyncadd.s32 $0xFFFFFFB0  }
0x86: {  	_ =	swait.ge [sflag:s24], $0x2800  }
0x87: {  	[sflag:s24] =	ssyncset.done $0x0  }
0x88: {  	[sflag:s24] =	ssyncadd.s32 $0xFFFFD800  }
0x89: {  	[spmem:s3] =	stream.indirect.scatter.add.f32 [tilespmem:s20], [sflag:$0x5], $0x80, s4, s25, $0xb8;
	[tilespmem:$0x19100] =	vst v63  }
0x8a: {  	_ =	swait.ge [sflag:s26], $0x2800  }
0x8b: {  	[sflag:s26] =	ssyncset.done $0x0  }
0x8c: {  	s9 =	sadd.s32 $0x0, s7;
	[sflag:s26] =	ssyncadd.s32 $0xFFFFD800  }
0x8d: {  	[tilespmem:s4], [sflag:$0x1] =	stream.linear.gather [hbm4b:s15+s4], $0x50, $0x38;
	[tilespmem:$0x19100] =	vst v63  }
0x8e: {  	s2 =	sadd.s32 $0x1400, s9  }
0x8f: {  	[tilespmem:s20], [sflag:$0x3] =	stream.strided.gather [hbm4b:s2+s18], $0x2800, s19, s18, $0x38;
	[tilespmem:$0x19100] =	vst v63  }
0x90: {  	_ =	swait.ge [sflag:s28], $0x50  }
0x91: {  	[sflag:s28] =	ssyncset.done $0x0  }
0x92: {  	[sflag:s28] =	ssyncadd.s32 $0xFFFFFFB0  }
0x93: {  	_ =	swait.ge [sflag:s29], $0x2800  }
0x94: {  	[sflag:s29] =	ssyncset.done $0x0  }
0x95: {  	[sflag:s29] =	ssyncadd.s32 $0xFFFFD800  }
0x96: {  	[spmem:s3] =	stream.indirect.scatter.add.f32 [tilespmem:s22], [sflag:$0x6], $0x80, s21, s25, $0xb8;
	[tilespmem:$0x19100] =	vst v63  }
0x97: {  	_ =	swait.ge [sflag:s30], $0x2800  }
0x98: {  	s11 =	sadd.s32 $0xA, s15;
	s1 =	sadd.s32 $0x14, s15;
	[sflag:s30] =	ssyncset.done $0x0  }
0x99: {  	s9 =	sadd.s32 $0x1E00, s9;
	s2 =	simm.s32 $0x1400;
	[sflag:s30] =	ssyncadd.s32 $0xFFFFD800  }
0x9a: {  	[tilespmem:s21], [sflag:$0x2] =	stream.linear.gather [hbm4b:s11+s4], $0x50, $0x38;
	[tilespmem:$0x19100] =	vst v63  }
.LBB2_3:
0x9b: {  	[tilespmem:s22], [sflag:$0x4] =	stream.strided.gather [hbm4b:s9+s18], $0x2800, s19, s18, $0x38;
	[tilespmem:$0x19100] =	vst v63  }
0x9c: {  	s9 =	smov.u32 s2;
	s2 =	sadd.s32 $0x1400, s2;
	_ =	swait.ge [sflag:s23], $0x50  }
0x9d: {  	p1 =	seq.s32 s2, $0x4C400;
	[sflag:s23] =	ssyncset.done $0x0  }
0x9e: {  	[sflag:s23] =	ssyncadd.s32 $0xFFFFFFB0  }
0x9f: {  	_ =	swait.ge [sflag:s24], $0x2800  }
0xa0: {  	[sflag:s24] =	ssyncset.done $0x0  }
0xa1: {  	[sflag:s24] =	ssyncadd.s32 $0xFFFFD800  }
0xa2: {  	[spmem:s3] =	stream.indirect.scatter.add.f32 [tilespmem:s20], [sflag:$0x5], $0x80, s4, s25, $0xb8;
	[tilespmem:$0x19100] =	vst v63  }
0xa3: {  	_ =	swait.ge [sflag:s26], $0x2800  }
0xa4: {  	[sflag:s26] =	ssyncset.done $0x0  }
0xa5: {  	s9 =	sadd.s32 s9, s7;
	[sflag:s26] =	ssyncadd.s32 $0xFFFFD800  }
0xa6: {  	[tilespmem:s4], [sflag:$0x1] =	stream.linear.gather [hbm4b:s1+s4], $0x50, $0x38;
	[tilespmem:$0x19100] =	vst v63  }
0xa7: {  	s11 =	sadd.s32 $0x1400, s9  }
0xa8: {  	[tilespmem:s20], [sflag:$0x3] =	stream.strided.gather [hbm4b:s11+s18], $0x2800, s19, s18, $0x38;
	[tilespmem:$0x19100] =	vst v63  }
0xa9: {  	_ =	swait.ge [sflag:s28], $0x50  }
0xaa: {  	[sflag:s28] =	ssyncset.done $0x0  }
0xab: {  	[sflag:s28] =	ssyncadd.s32 $0xFFFFFFB0  }
0xac: {  	_ =	swait.ge [sflag:s29], $0x2800  }
0xad: {  	[sflag:s29] =	ssyncset.done $0x0  }
0xae: {  	[sflag:s29] =	ssyncadd.s32 $0xFFFFD800  }
0xaf: {  	[spmem:s3] =	stream.indirect.scatter.add.f32 [tilespmem:s22], [sflag:$0x6], $0x80, s21, s25, $0xb8;
	[tilespmem:$0x19100] =	vst v63  }
.Ltmp5:
0xb0: {  	_ =	swait.ge [sflag:s30], $0x2800;
	(pc) =	sbr.rel @!p1 .LBB2_3-.Ltmp5, $4  }
0xb1: {  	[sflag:s30] =	ssyncset.done $0x0  }
0xb2: {  	s11 =	sadd.s32 $0xA, s1;
	[sflag:s30] =	ssyncadd.s32 $0xFFFFD800  }
0xb3: {  	[tilespmem:s21], [sflag:$0x2] =	stream.linear.gather [hbm4b:s11+s4], $0x50, $0x38;
	[tilespmem:$0x19100] =	vst v63  }
0xb4: {  	s9 =	sadd.s32 $0x1E00, s9;
	s1 =	sadd.s32 $0x14, s1  }
0xb5: {  	[tilespmem:s22], [sflag:$0x4] =	stream.strided.gather [hbm4b:s9+s18], $0x2800, s19, s18, $0x38;
	[tilespmem:$0x19100] =	vst v63  }
0xb6: {  	_ =	swait.ge [sflag:s23], $0x50  }
0xb7: {  	[sflag:s23] =	ssyncset.done $0x0  }
0xb8: {  	[sflag:s23] =	ssyncadd.s32 $0xFFFFFFB0  }
0xb9: {  	_ =	swait.ge [sflag:s24], $0x2800  }
0xba: {  	[sflag:s24] =	ssyncset.done $0x0  }
0xbb: {  	[sflag:s24] =	ssyncadd.s32 $0xFFFFD800  }
0xbc: {  	[spmem:s3] =	stream.indirect.scatter.add.f32 [tilespmem:s20], [sflag:$0x5], $0x80, s4, s25, $0xb8;
	[tilespmem:$0x19100] =	vst v63  }
0xbd: {  	_ =	swait.ge [sflag:s26], $0x2800  }
0xbe: {  	[sflag:s26] =	ssyncset.done $0x0  }
0xbf: {  	s11 =	sadd.s32 s2, s7;
	[sflag:s26] =	ssyncadd.s32 $0xFFFFD800  }
0xc0: {  	[tilespmem:s4], [sflag:$0x1] =	stream.linear.gather [hbm4b:s1+s4], $0x50, $0x38;
	[tilespmem:$0x19100] =	vst v63  }
0xc1: {  	s1 =	sadd.s32 $0x1400, s11  }
0xc2: {  	[tilespmem:s20], [sflag:$0x3] =	stream.strided.gather [hbm4b:s1+s18], $0x2800, s19, s18, $0x38;
	[tilespmem:$0x19100] =	vst v63  }
0xc3: {  	_ =	swait.ge [sflag:s28], $0x50  }
0xc4: {  	[sflag:s28] =	ssyncset.done $0x0  }
.Ltmp6:
0xc5: {  	[sflag:s28] =	ssyncadd.s32 $0xFFFFFFB0;
	(pc) =	sbr.rel .LBB2_8-.Ltmp6, $4  }
0xc6: {  	_ =	swait.ge [sflag:s29], $0x2800  }
0xc7: {  	[sflag:s29] =	ssyncset.done $0x0  }
0xc8: {  	s1 =	smov.u32 s10;
	[sflag:s29] =	ssyncadd.s32 $0xFFFFD800  }
0xc9: {  	[spmem:s3] =	stream.indirect.scatter.add.f32 [tilespmem:s22], [sflag:$0x6], $0x80, s21, s25, $0xb8;
	[tilespmem:$0x19100] =	vst v63  }
.LBB2_9:
0xca: {  	_ =	sfence.sel $0x180000  }
0xcb: {  	[bflag:$0x0] =	sbarrier.arrive $0xFFFF  }
0xcc: {  	_ =	strace $0x9000004A  }
0xcd: {  	s0 =	stileid.u32;
	[bflag:$0x2] =	sbarrier.arrive $0xFFFF  }
0xce: {  	p0 =	sne.s32 s0, $0x0;
	s0 =	rddreg [dreg:$0x4]  }
0xcf: {  	s0 =	sadd.s32 @!p0 $0x100000, s0  }
0xd0: {  	[sflag:s0] =	ssyncadd.tile.s32 @!p0 $0x1;
	_ =	shalt  }
.Lfunc_end2:
_tile_overlayer_lowered:
.L_overlay_start_2:
0xd1: {  	(tag) =	ssettag $0x2  }
0xd2: {  	s0 =	rddreg [dreg:$0x0];
	s2 =	stileid.u32  }
0xd3: {  	s1 =	rddreg [dreg:$0x1];
	p0 =	sne.s32 s2, $0x0  }
0xd4: {  	s3 =	rddreg [dreg:$0x2];
	[bflag:$0x3] =	sbarrier.arrive $0xFFFF;
	s2 =	simm.s32 @!p0 $0x1C07  }
0xd5: {  	[timem:s3], [sflag:s2] =	dma.local @!p0 [hbm:s0], s1  }
0xd6: {  	s0 =	simm.s32 @!p0 $0x7  }
0xd7: {  	_ =	swait.ge @!p0 [sflag:s0], s1  }
0xd8: {  	s1 =	ssub.s32 @!p0 $0x0, s1;
	[sflag:s0] =	ssyncset.done @!p0 $0x0  }
0xd9: {  	[sflag:s0] =	ssyncadd.s32 @!p0 s1  }
0xda: {  	[bflag:$0x3] =	sbarrier.arrive $0xFFFF  }
0xdb: {  	_ =	shalt  }

// kernel: kernel.7.cloned.1.call-start
scs
__scs_entry_jumppad:
0x0: {  	(pc) =	sbr.rel $0x88, $3  }
0x1: {  	(tag) =	ssettag $0x0;
	lr =	simm.s32 $0x1  }
0x2: {  	[smem:$0x3F96] =	sst lr;
	_ =	strace $0xD0000000  }
0x3: {  	_ = 	snop  }
0x4: {  	_ = 	snop  }
0x5: {  	_ = 	snop  }
0x6: {  	_ = 	snop  }
0x7: {  	_ = 	snop  }
__scs_overlays_trampoline_lowered:
0x8: {  	[smem:$0x3FA5] =	sst s0  }
0x9: {  	[smem:$0x3FA6] =	sst s1  }
0xa: {  	[smem:$0x3FA7] =	sst s2  }
0xb: {  	[smem:$0x3FA8] =	sst s3  }
0xc: {  	[smem:$0x3FA9] =	sst s4  }
0xd: {  	[smem:$0x3FAA] =	sst s5  }
0xe: {  	[smem:$0x3FAB] =	sst s6  }
0xf: {  	[smem:$0x3FAC] =	sst s7  }
0x10: {  	[smem:$0x3FAD] =	sst s8  }
0x11: {  	[smem:$0x3FAE] =	sst s9;
	s0 =	simm.s32 @!p0 $0x0  }
0x12: {  	s1 =	sld [smem:$0x3F94];
	s0 =	simm.s32 @p0 $0x1  }
0x13: {  	[smem:$0x3FAF] =	sst s0;
	s0 =	simm.s32 @!p1 $0x0  }
0x14: {  	s2 =	sld [smem:$0x3F93];
	s0 =	simm.s32 @p1 $0x1  }
0x15: {  	[smem:$0x3FB0] =	sst s0;
	s0 =	simm.s32 @!p2 $0x0  }
0x16: {  	s3 =	sld [smem:$0x3FDB];
	s0 =	simm.s32 @p2 $0x1  }
0x17: {  	s4 =	simm.s32 $0x1BF5;
	[smem:$0x3FB2] =	sst s0  }
0x18: {  	s0 =	sld [smem:$0x3F95];
	_ =	swait.ge [sflag:s4], $0x0  }
0x19: {  	s7 =	sld [smem:$0x3F96]  }
0x1a: {  	s8 =	sadd.s32 $0xFFFFE003, lr  }
0x1b: {  	s9 =	sadd.s32 $0xFFFFFEF7, lr;
	s5 =	simm.s32 $0xFFFFFFFF;
	p2 =	slt.u32 s8, $0xFFFFF086  }
0x1c: {  	p1 =	slt.u32 s9, $0xF7A;
	s5 =	simm.s32 @!p2 $0x0  }
0x1d: {  	s5 =	simm.s32 @p1 $0x1;
	p0 =	seq.s32 s7, s2  }
0x1e: {  	s7 =	smul.u32 @!p0 $0xF7A, s2;
	p2 =	seq.s32 @!p0 s5, $0x0  }
0x1f: {  	s9 =	smul.u32 $0xF7A, s1;
	s8 =	simm.s32 @!p0 $0x1BF5;
	p2 =	por !p2, p0  }
0x20: {  	[sflag:s8] =	ssyncset.s32 @!p0 $0xFFFFF086;
	s6 =	sadd.s32 @!p0 s3, s7;
	s7 =	simm.s32 @!p0 $0x108  }
0x21: {  	s3 =	sadd.s32 s3, s9;
	s6 =	sadd.s32 @!p0 $0x88, s6;
	s7 =	simm.s32 @p2 $0x1082  }
0x22: {  	[simem:s7], [sflag:s8] =	dma.local @!p0 [hbm:s6], $0xF7A  }
0x23: {  	s9 =	sor.u32 $0xD0000000, s2;
	s6 =	simm.s32 $0x108;
	_ =	swait.ge @!p0 [sflag:s8], $0x0  }
0x24: {  	s3 =	sadd.s32 $0x88, s3;
	s6 =	simm.s32 @!p1 $0x1082;
	[sflag:s4] =	ssyncset.s32 $0xFFFFF086  }
0x25: {  	[simem:s6], [sflag:s4] =	dma.local [hbm:s3], $0xF7A  }
0x26: {  	[smem:$0x3F96] =	sst s1;
	(tag) =	ssettag s2;
	_ =	strace s9  }
0x27: {  	s1 =	sld [smem:$0x3FA6]  }
0x28: {  	s2 =	sld [smem:$0x3FA7]  }
0x29: {  	s4 =	sld [smem:$0x3FA9]  }
0x2a: {  	p0 =	seq.s32 s5, $0x0;
	s5 =	sld [smem:$0x3FAA]  }
0x2b: {  	s6 =	sld [smem:$0x3FAB]  }
0x2c: {  	s7 =	sld [smem:$0x3FAC]  }
0x2d: {  	s3 =	simm.s32 $0x108;
	s8 =	sld [smem:$0x3FAD]  }
0x2e: {  	s3 =	simm.s32 @!p0 $0x1082;
	s9 =	sld [smem:$0x3FAE]  }
0x2f: {  	lr =	sadd.s32 s0, s3;
	s0 =	sld [smem:$0x3FA5]  }
0x30: {  	s3 =	sld [smem:$0x3FA8]  }
0x31: {  	[smem:$0x3FB1] =	sst s10  }
0x32: {  	s10 =	sld [smem:$0x3FAF];
	_ =	sdelay $0x3  }
0x33: {  	p0 =	seq.s32 s10, $0x1;
	s10 =	sld [smem:$0x3FB1];
	_ =	sdelay $0x3  }
0x34: {  	[smem:$0x3FB1] =	sst s10  }
0x35: {  	s10 =	sld [smem:$0x3FB0];
	_ =	sdelay $0x3  }
0x36: {  	p1 =	seq.s32 s10, $0x1;
	s10 =	sld [smem:$0x3FB1];
	_ =	sdelay $0x3  }
0x37: {  	[smem:$0x3FB1] =	sst s10  }
0x38: {  	s10 =	sld [smem:$0x3FB2]  }
0x39: {  	_ = 	snop;
	(pc) =	sbr.ind lr, $3  }
0x3a: {  	_ = 	snop  }
0x3b: {  	_ = 	snop  }
0x3c: {  	p2 =	seq.s32 s10, $0x1;
	s10 =	sld [smem:$0x3FB1]  }
0x3d: {  	_ =	shalt  }
0x3e: {  	_ =	shalt  }
0x3f: {  	_ =	shalt  }
0x40: {  	_ =	shalt  }
0x41: {  	_ =	shalt  }
0x42: {  	_ =	shalt  }
0x43: {  	_ =	shalt  }
0x44: {  	_ =	shalt  }
0x45: {  	_ =	shalt  }
0x46: {  	_ =	shalt  }
0x47: {  	_ =	shalt  }
0x48: {  	_ =	shalt  }
0x49: {  	_ =	shalt  }
0x4a: {  	_ =	shalt  }
0x4b: {  	_ =	shalt  }
0x4c: {  	_ =	shalt  }
0x4d: {  	_ =	shalt  }
0x4e: {  	_ =	shalt  }
0x4f: {  	_ =	shalt  }
0x50: {  	_ =	shalt  }
0x51: {  	_ =	shalt  }
0x52: {  	_ =	shalt  }
0x53: {  	_ =	shalt  }
0x54: {  	_ =	shalt  }
0x55: {  	_ =	shalt  }
0x56: {  	_ =	shalt  }
0x57: {  	_ =	shalt  }
0x58: {  	_ =	shalt  }
0x59: {  	_ =	shalt  }
0x5a: {  	_ =	shalt  }
0x5b: {  	_ =	shalt  }
0x5c: {  	_ =	shalt  }
0x5d: {  	_ =	shalt  }
0x5e: {  	_ =	shalt  }
0x5f: {  	_ =	shalt  }
0x60: {  	_ =	shalt  }
0x61: {  	_ =	shalt  }
0x62: {  	_ =	shalt  }
0x63: {  	_ =	shalt  }
0x64: {  	_ =	shalt  }
0x65: {  	_ =	shalt  }
0x66: {  	_ =	shalt  }
0x67: {  	_ =	shalt  }
0x68: {  	_ =	shalt  }
0x69: {  	_ =	shalt  }
0x6a: {  	_ =	shalt  }
0x6b: {  	_ =	shalt  }
0x6c: {  	_ =	shalt  }
0x6d: {  	_ =	shalt  }
0x6e: {  	_ =	shalt  }
0x6f: {  	_ =	shalt  }
0x70: {  	_ =	shalt  }
0x71: {  	_ =	shalt  }
0x72: {  	_ =	shalt  }
0x73: {  	_ =	shalt  }
0x74: {  	_ =	shalt  }
0x75: {  	_ =	shalt  }
0x76: {  	_ =	shalt  }
0x77: {  	_ =	shalt  }
0x78: {  	_ =	shalt  }
0x79: {  	_ =	shalt  }
0x7a: {  	_ =	shalt  }
0x7b: {  	_ =	shalt  }
0x7c: {  	_ =	shalt  }
0x7d: {  	_ =	shalt  }
0x7e: {  	_ =	shalt  }
0x7f: {  	_ =	shalt  }
0x80: {  	_ =	shalt  }
0x81: {  	_ =	shalt  }
0x82: {  	_ =	shalt  }
0x83: {  	_ =	shalt  }
0x84: {  	_ =	shalt  }
0x85: {  	_ =	shalt  }
0x86: {  	_ =	shalt  }
0x87: {  	_ =	shalt  }
.Lfunc_end0:
.L_simem_size_0:
called_computation_lowered:
.L_overlay_start_0:
0x88: {  	s2 =	sld [smem:$0x3FD9]  }
0x89: {  	s3 =	sld [smem:$0x3FFE];
	_ =	sdelay $0x1  }
0x8a: {  	s1 =	srdreg.scid  }
0x8b: {  	s0 =	sand.u32 $0x1, s1  }
0x8c: {  	s14 =	sshll.u32 s0, $0xA;
	s2 =	sadd.s32 s3, s2  }
0x8d: {  	s2 =	sadd.s32 s2, s14  }
0x8e: {  	[smem:$0x3FBD] =	sst s2  }
0x8f: {  	_ = 	snop  }
0x90: {  	s2 =	sld [smem:$0x3FD0];
	_ =	sdelay $0x2  }
0x91: {  	s15 =	simm.s32 $0xA;
	s4 =	simm.s32 $0x10  }
0x92: {  	[smem:s4], [sflag:s15] =	dma.local [hbm:s2], $0x1  }
0x93: {  	_ =	swait.eq [sflag:s15], $0x1  }
0x94: {  	[sflag:s15] =	ssyncset.done $0x0  }
0x95: {  	s16 =	sld [smem:$0x10];
	[sflag:s15] =	ssyncadd.s32 $0xFFFFFFFF  }
0x96: {  	s17 =	sld [smem:$0x11];
	(tm) =	ssettm $0x1  }
0x97: {  	s18 =	sld [smem:$0x3FFB];
	_ =	sdelay $0x3  }
0x98: {  	_ =	strace s18  }
0x99: {  	s4 =	sld [smem:$0x3FFC];
	_ =	sdelay $0x3  }
0x9a: {  	_ =	strace s4  }
0x9b: {  	s4 =	sld [smem:$0x3FFD];
	_ =	sdelay $0x3  }
0x9c: {  	_ =	strace s4  }
0x9d: {  	_ =	strace $0x8FFFFFFF  }
0x9e: {  	s19 =	sld [smem:$0x3FDB];
	_ =	sdelay $0x1  }
0x9f: {  	s5 =	simm.s32 $_scs_section_size  }
0xa0: {  	s6 =	simm.s32 $_size__tile_overlayer_lowered;
	s7 =	simm.s32 $_tile_overlayer_lowered  }
0xa1: {  	s22 =	simm.s32 $0x1BFF;
	s21 =	sshll.u32 s7, $0x1;
	s4 =	sadd.s32 s5, s19  }
0xa2: {  	s8 =	simm.s32 $0x0;
	s20 =	sshll.u32 s6, $0x1;
	s6 =	sadd.s32 s21, s4  }
0xa3: {  	[timem:s8], [sflag:s22] =	dma.local [hbm:s6], s20  }
0xa4: {  	_ =	swait.ge [sflag:s22], s20  }
0xa5: {  	s5 =	ssub.s32 $0x0, s20;
	[sflag:s22] =	ssyncset.done $0x0  }
0xa6: {  	[sflag:s22] =	ssyncadd.s32 s5;
	_ =	sdelay $0x1  }
0xa7: {  	s23 =	simm.s32 $0x1B8B  }
0xa8: {  	_ =	swait.ge [sflag:s23], $0x1  }
0xa9: {  	[sflag:s23] =	ssyncset.done $0x0  }
0xaa: {  	s25 =	simm.s32 $0x1B8E;
	s24 =	sld [smem:$0x3FFE];
	[sflag:s23] =	ssyncadd.s32 $0xFFFFFFFF  }
0xab: {  	s26 =	simm.s32 $execute0_lowered;
	[smem:$0x3FD2] =	sst s25  }
0xac: {  	s6 =	sshll.u32 s26, $0x1;
	_ =	strace $0x80000046;
	[dreg:$0x1] =	wrdreg $0xFFFFFFFF  }
0xad: {  	s28 =	simm.s32 $_size_execute0_lowered;
	s4 =	sadd.s32 s4, s6;
	[dreg:$0x0] =	wrdreg $0x0  }
0xae: {  	s6 =	sshll.u32 s28, $0x1;
	[dreg:$0x2] =	wrdreg s4  }
0xaf: {  	[dreg:$0x3] =	wrdreg s6  }
0xb0: {  	[dreg:$0x4] =	wrdreg $0xC0  }
0xb1: {  	_ =	task [dreg:s8], $0x5FFFF  }
0xb2: {  	[dreg:$0x1] =	wrdreg $0xFFFFFFFF  }
0xb3: {  	[dreg:$0x0] =	wrdreg $0x60  }
0xb4: {  	[dreg:$0x2] =	wrdreg s16  }
0xb5: {  	[dreg:$0x3] =	wrdreg s17  }
0xb6: {  	[dreg:$0x4] =	wrdreg s24  }
0xb7: {  	[dreg:$0x5] =	wrdreg $0x9  }
0xb8: {  	_ =	task.clear_ibuf [dreg:s8], $0x6FFFF;
	_ =	strace $0x90000046  }
0xb9: {  	s29 =	simm.s32 $0x9;
	_ =	strace $0x80000048  }
0xba: {  	_ =	swait.ge [sflag:s29], $0x1  }
0xbb: {  	[sflag:s29] =	ssyncadd.s32 $0xFFFFFFFF  }
0xbc: {  	_ =	strace $0x90000048  }
0xbd: {  	_ =	sfence  }
0xbe: {  	s30 =	sld [smem:$0x0];
	_ =	sdelay $0x2  }
0xbf: {  	s31 =	sshll.u32 s1, $0xD;
	s1 =	sshrl.u32 s1, $0x2  }
0xc0: {  	s3 =	sand.u32 $0x4000, s31;
	s1 =	sadd.s32 s1, s30  }
0xc1: {  	s0 =	sor.u32 s3, s0;
	s1 =	sshll.u32 s1, $0x11  }
0xc2: {  	s0 =	sor.u32 s1, s0  }
0xc3: {  	s0 =	sadd.s32 $0x8F2B, s0  }
0xc4: {  	[sflag:s0] =	ssyncadd.remote.s32 $0x1  }
0xc5: {  	_ =	sfence.sel $0xFFFF  }
0xc6: {  	[dreg:$0x0] =	wrdreg $0xFFFFFFFF;
	(pc) =	sbr.abs _section_cstart, $3  }
0xc7: {  	[dreg:$0x1] =	wrdreg $0xFFFFFFFF  }
0xc8: {  	_ =	task.clear_ibuf [dreg:s8], $0x2FFFF;
	_ =	strace $0x9FFFFFFF  }
0xc9: {  	(tm) =	ssettm $0x7FFFFFFF  }
tec
execute0_lowered:
.L_overlay_start_1:
0x0: {  	(tag) =	ssettag $0x1  }
0x1: {  	s1 =	rddreg [dreg:$0x0]  }
0x2: {  	s2 =	rddreg [dreg:$0x1]  }
0x3: {  	s0 =	rddreg [dreg:$0x2]  }
0x4: {  	s3 =	simm.s32 $0x0;
	s7 =	srdreg.scid;
	s15 =	stileid.u32  }
0x5: {  	s18 =	simm.s32 $0x5;
	s19 =	simm.s32 $0x1400;
	s20 =	simm.s32 $0x80  }
0x6: {  	s28 =	simm.s32 $0x2;
	s29 =	simm.s32 $0x3;
	s30 =	simm.s32 $0x4  }
0x7: {  	s31 =	simm.s32 $0x0;
	[smem:$0x7FF] =	sst s3;
	s4 =	sadd.s32 $0x12200, s0  }
0x8: {  	s6 =	sadd.s32 $0x39400, s0;
	s5 =	sadd.s32 $0x8200, s0;
	s12 =	smul.u32 $0x1400, s15  }
0x9: {  	s9 =	sadd.s32 $0xD200, s0;
	s10 =	sand.u32 $0x1, s7;
	s13 =	smul.u32 $0x280, s15  }
0xa: {  	s7 =	sadd.s32 $0x60600, s0;
	s8 =	sadd.s32 $0x2E0600, s0;
	s24 =	smul.u32 $0xA0000, s15  }
0xb: {  	s26 =	smul.u32 $0x14000, s15;
	_ =	strace $0x80000047;
	s11 =	ssub.s32 $0x2, s10  }
0xc: {  	p0 =	seq.s32 s10, $0x1;
	s21 =	sshrl.u32 s11, $0x1;
	s22 =	sadd.s32 $0x14000, s12  }
0xd: {  	s23 =	sadd.s32 s5, s13;
	[dreg:$0x5] =	wrdreg s24;
	s25 =	sadd.s32 s9, s13  }
0xe: {  	s16 =	sadd.s32 s26, s8;
	s17 =	sadd.s32 s26, s7;
	s24 =	simm.s32 $0x1480  }
.Ltmp0:
0xf: {  	s26 =	simm.s32 $0x1;
	[dreg:$0x4] =	wrdreg s23;
	(pc) =	sbr.rel .LBB2_1-.Ltmp0, $4  }
0x10: {  	s0 =	ssub.s32 s11, s21;
	s14 =	sshrl.u32 s22, $0x3;
	[dreg:$0x6] =	wrdreg s25  }
0x11: {  	s21 =	simm.s32 $0x2800;
	s23 =	simm.s32 $0xA800;
	s25 =	simm.s32 $0xE800  }
0x12: {  	s5 =	sadd.s32 s5, s14;
	s13 =	sadd.s32 s9, s14;
	s14 =	sshll.u32 s22, $0x7  }
0x13: {  	s15 =	smax.u32 s0, $0x1;
	s22 =	simm.s32 $0x6800;
	[dreg:$0x7] =	wrdreg s5  }
.LBB2_7:
0x14: {  	[tilespmem:s25], [sflag:$0x4] =	stream.indirect.gather [hbm4b:s6+s20], $0x80, s11, s20, $0xb8;
	[tilespmem:$0x12800] =	vst v63  }
0x15: {  	s0 =	smov.u32 s14  }
.LBB2_8:
0x16: {  	_ =	swait.ge [sflag:s26], $0x4000  }
0x17: {  	[sflag:s26] =	ssyncset.done $0x0  }
0x18: {  	[sflag:s26] =	ssyncadd.s32 $0xFFFFC000  }
0x19: {  	s0 =	sshrl.u32 s0, $0x3;
	_ =	swait.ge [sflag:s28], $0x4000  }
0x1a: {  	s5 =	sadd.s32 $0x13000, s0;
	[sflag:s28] =	ssyncset.done $0x0  }
0x1b: {  	s9 =	sadd.s32 s7, s5;
	[sflag:s28] =	ssyncadd.s32 $0xFFFFC000  }
0x1c: {  	[hbm4b:s9+s3] =	stream.linear.scatter [tilespmem:s21], [sflag:$0x5], $0x4000, $0x38;
	[tilespmem:$0x12800] =	vst v63  }
0x1d: {  	_ =	swait.ge [sflag:s18], $0x4000  }
0x1e: {  	[sflag:s18] =	ssyncset.done $0x0  }
0x1f: {  	s5 =	sadd.s32 s8, s5;
	[sflag:s18] =	ssyncadd.s32 $0xFFFFC000  }
0x20: {  	[hbm4b:s5+s3] =	stream.linear.scatter [tilespmem:s22], [sflag:$0x5], $0x4000, $0x38;
	[tilespmem:$0x12800] =	vst v63  }
0x21: {  	_ =	swait.ge [sflag:s18], $0x4000  }
0x22: {  	[sflag:s18] =	ssyncset.done $0x0  }
0x23: {  	[sflag:s18] =	ssyncadd.s32 $0xFFFFC000  }
0x24: {  	_ =	swait.ge [sflag:s29], $0x4000  }
0x25: {  	[sflag:s29] =	ssyncset.done $0x0  }
0x26: {  	[sflag:s29] =	ssyncadd.s32 $0xFFFFC000  }
0x27: {  	_ =	swait.ge [sflag:s30], $0x4000  }
0x28: {  	s0 =	sadd.s32 $0x13800, s0;
	[sflag:s30] =	ssyncset.done $0x0  }
0x29: {  	s12 =	sadd.s32 s7, s0;
	[sflag:s30] =	ssyncadd.s32 $0xFFFFC000  }
0x2a: {  	[hbm4b:s12+s3] =	stream.linear.scatter [tilespmem:s23], [sflag:$0x5], $0x4000, $0x38;
	[tilespmem:$0x12800] =	vst v63  }
0x2b: {  	s31 =	sadd.s32 $0x1, s31;
	_ =	swait.ge [sflag:s18], $0x4000  }
0x2c: {  	p1 =	sne.s32 s31, s15;
	[sflag:s18] =	ssyncset.done $0x0  }
.Ltmp1:
0x2d: {  	s0 =	sadd.s32 s8, s0;
	[sflag:s18] =	ssyncadd.s32 $0xFFFFC000;
	(pc) =	sbr.rel @!p1 .LBB2_9-.Ltmp1, $4  }
0x2e: {  	[hbm4b:s0+s3] =	stream.linear.scatter [tilespmem:s25], [sflag:$0x5], $0x4000, $0x38;
	[tilespmem:$0x12800] =	vst v63  }
0x2f: {  	_ =	swait.ge [sflag:s18], $0x4000  }
0x30: {  	[sflag:s18] =	ssyncset.done $0x0  }
0x31: {  	[sflag:s18] =	ssyncadd.s32 $0xFFFFC000  }
.LBB2_1:
.Ltmp2:
0x32: {  	(pc) =	sbr.rel @!p0 .LBB2_2-.Ltmp2, $2  }
0x33: {  	_ =	sdelay $0x2  }
0x34: {  	s0 =	simm.s32 $0x0  }
0x35: {  	s5 =	rddreg [dreg:$0x7]  }
0x36: {  	[tilespmem:s0], [sflag:$0x5] =	stream.linear.gather [hbm4b:s5+s0], $0x1400, $0x38;
	[tilespmem:$0x12800] =	vst v63  }
0x37: {  	_ =	swait.ge [sflag:s18], $0x1400  }
0x38: {  	[sflag:s18] =	ssyncset.done $0x0  }
0x39: {  	[sflag:s18] =	ssyncadd.s32 $0xFFFFEC00  }
0x3a: {  	[tilespmem:s19], [sflag:$0x5] =	stream.linear.gather [hbm4b:s13+s0], $0x1400, $0x38;
	[tilespmem:$0x12800] =	vst v63  }
0x3b: {  	_ =	swait.ge [sflag:s18], $0x1400  }
0x3c: {  	[sflag:s18] =	ssyncset.done $0x0  }
0x3d: {  	[sflag:s18] =	ssyncadd.s32 $0xFFFFEC00  }
0x3e: {  	[tilespmem:s21], [sflag:$0x1] =	stream.indirect.gather [hbm4b:s4+s20], $0x80, s0, s20, $0xb8;
	[tilespmem:$0x12800] =	vst v63  }
0x3f: {  	_ = 	snop  }
0x40: {  	[tilespmem:s22], [sflag:$0x2] =	stream.indirect.gather [hbm4b:s6+s20], $0x80, s19, s20, $0xb8;
	[tilespmem:$0x12800] =	vst v63  }
0x41: {  	_ = 	snop  }
0x42: {  	[tilespmem:s23], [sflag:$0x3] =	stream.indirect.gather [hbm4b:s4+s20], $0x80, s20, s20, $0xb8;
	[tilespmem:$0x12800] =	vst v63  }
0x43: {  	_ = 	snop  }
0x44: {  	[tilespmem:s25], [sflag:$0x4] =	stream.indirect.gather [hbm4b:s6+s20], $0x80, s24, s20, $0xb8;
	[tilespmem:$0x12800] =	vst v63  }
0x45: {  	_ =	swait.ge [sflag:s26], $0x4000  }
0x46: {  	[sflag:s26] =	ssyncset.done $0x0  }
0x47: {  	[sflag:s26] =	ssyncadd.s32 $0xFFFFC000  }
0x48: {  	_ =	swait.ge [sflag:s28], $0x4000  }
0x49: {  	s0 =	sadd.s32 $0x0, s17;
	[sflag:s28] =	ssyncset.done $0x0  }
0x4a: {  	s10 =	sadd.s32 $0x140000, s0;
	[sflag:s28] =	ssyncadd.s32 $0xFFFFC000  }
0x4b: {  	[hbm4b:s10+s3] =	stream.linear.scatter [tilespmem:s21], [sflag:$0x5], $0x4000, $0x38;
	[tilespmem:$0x12800] =	vst v63  }
0x4c: {  	_ =	swait.ge [sflag:s18], $0x4000  }
0x4d: {  	s11 =	sadd.s32 $0x0, s16;
	[sflag:s18] =	ssyncset.done $0x0  }
0x4e: {  	s9 =	sadd.s32 $0x140000, s11;
	[sflag:s18] =	ssyncadd.s32 $0xFFFFC000  }
0x4f: {  	[hbm4b:s9+s3] =	stream.linear.scatter [tilespmem:s22], [sflag:$0x5], $0x4000, $0x38;
	[tilespmem:$0x12800] =	vst v63  }
0x50: {  	_ =	swait.ge [sflag:s18], $0x4000  }
0x51: {  	[sflag:s18] =	ssyncset.done $0x0  }
0x52: {  	s12 =	simm.s32 $0x100;
	[sflag:s18] =	ssyncadd.s32 $0xFFFFC000  }
0x53: {  	[tilespmem:s21], [sflag:$0x1] =	stream.indirect.gather [hbm4b:s4+s20], $0x80, s12, s20, $0xb8;
	[tilespmem:$0x12800] =	vst v63  }
0x54: {  	s10 =	simm.s32 $0x1500  }
0x55: {  	[tilespmem:s22], [sflag:$0x2] =	stream.indirect.gather [hbm4b:s6+s20], $0x80, s10, s20, $0xb8;
	[tilespmem:$0x12800] =	vst v63  }
0x56: {  	_ =	swait.ge [sflag:s29], $0x4000  }
0x57: {  	[sflag:s29] =	ssyncset.done $0x0  }
0x58: {  	[sflag:s29] =	ssyncadd.s32 $0xFFFFC000  }
0x59: {  	_ =	swait.ge [sflag:s30], $0x4000  }
0x5a: {  	[sflag:s30] =	ssyncset.done $0x0  }
0x5b: {  	s0 =	sadd.s32 $0x140800, s0;
	[sflag:s30] =	ssyncadd.s32 $0xFFFFC000  }
0x5c: {  	[hbm4b:s0+s3] =	stream.linear.scatter [tilespmem:s23], [sflag:$0x5], $0x4000, $0x38;
	[tilespmem:$0x12800] =	vst v63  }
0x5d: {  	_ =	swait.ge [sflag:s18], $0x4000  }
0x5e: {  	[sflag:s18] =	ssyncset.done $0x0  }
0x5f: {  	s11 =	sadd.s32 $0x140800, s11;
	[sflag:s18] =	ssyncadd.s32 $0xFFFFC000  }
0x60: {  	[hbm4b:s11+s3] =	stream.linear.scatter [tilespmem:s25], [sflag:$0x5], $0x4000, $0x38;
	[tilespmem:$0x12800] =	vst v63  }
0x61: {  	s5 =	simm.s32 $0x1600;
	_ =	swait.ge [sflag:s18], $0x4000  }
0x62: {  	s9 =	simm.s32 $0x200;
	s12 =	simm.s32 $0x180;
	[sflag:s18] =	ssyncset.done $0x0  }
0x63: {  	s0 =	simm.s32 $0x1000;
	s11 =	simm.s32 $0x1580;
	[sflag:s18] =	ssyncadd.s32 $0xFFFFC000  }
0x64: {  	[tilespmem:s23], [sflag:$0x3] =	stream.indirect.gather [hbm4b:s4+s20], $0x80, s12, s20, $0xb8;
	[tilespmem:$0x12800] =	vst v63  }
.LBB2_6:
0x65: {  	[tilespmem:s25], [sflag:$0x4] =	stream.indirect.gather [hbm4b:s6+s20], $0x80, s11, s20, $0xb8;
	[tilespmem:$0x12800] =	vst v63  }
0x66: {  	s11 =	smov.u32 s0  }
0x67: {  	p1 =	sne.s32 s0, $0x12000;
	s0 =	sadd.s32 $0x1000, s0;
	_ =	swait.ge [sflag:s26], $0x4000  }
0x68: {  	[sflag:s26] =	ssyncset.done $0x0  }
0x69: {  	[sflag:s26] =	ssyncadd.s32 $0xFFFFC000  }
0x6a: {  	_ =	swait.ge [sflag:s28], $0x4000  }
0x6b: {  	s12 =	sadd.s32 s11, s17;
	[sflag:s28] =	ssyncset.done $0x0  }
0x6c: {  	s10 =	sadd.s32 $0x140000, s12;
	[sflag:s28] =	ssyncadd.s32 $0xFFFFC000  }
0x6d: {  	[hbm4b:s10+s3] =	stream.linear.scatter [tilespmem:s21], [sflag:$0x5], $0x4000, $0x38;
	[tilespmem:$0x12800] =	vst v63  }
0x6e: {  	_ =	swait.ge [sflag:s18], $0x4000  }
0x6f: {  	s10 =	sadd.s32 s11, s16;
	[sflag:s18] =	ssyncset.done $0x0  }
0x70: {  	s11 =	sadd.s32 $0x140000, s10;
	[sflag:s18] =	ssyncadd.s32 $0xFFFFC000  }
0x71: {  	[hbm4b:s11+s3] =	stream.linear.scatter [tilespmem:s22], [sflag:$0x5], $0x4000, $0x38;
	[tilespmem:$0x12800] =	vst v63  }
0x72: {  	_ =	swait.ge [sflag:s18], $0x4000  }
0x73: {  	[sflag:s18] =	ssyncset.done $0x0  }
0x74: {  	[sflag:s18] =	ssyncadd.s32 $0xFFFFC000  }
0x75: {  	[tilespmem:s21], [sflag:$0x1] =	stream.indirect.gather [hbm4b:s4+s20], $0x80, s9, s20, $0xb8;
	[tilespmem:$0x12800] =	vst v63  }
0x76: {  	_ = 	snop  }
0x77: {  	[tilespmem:s22], [sflag:$0x2] =	stream.indirect.gather [hbm4b:s6+s20], $0x80, s5, s20, $0xb8;
	[tilespmem:$0x12800] =	vst v63  }
0x78: {  	_ =	swait.ge [sflag:s29], $0x4000  }
0x79: {  	[sflag:s29] =	ssyncset.done $0x0  }
0x7a: {  	[sflag:s29] =	ssyncadd.s32 $0xFFFFC000  }
0x7b: {  	_ =	swait.ge [sflag:s30], $0x4000  }
0x7c: {  	[sflag:s30] =	ssyncset.done $0x0  }
0x7d: {  	s11 =	sadd.s32 $0x140800, s12;
	[sflag:s30] =	ssyncadd.s32 $0xFFFFC000  }
0x7e: {  	[hbm4b:s11+s3] =	stream.linear.scatter [tilespmem:s23], [sflag:$0x5], $0x4000, $0x38;
	[tilespmem:$0x12800] =	vst v63  }
0x7f: {  	_ =	swait.ge [sflag:s18], $0x4000  }
0x80: {  	[sflag:s18] =	ssyncset.done $0x0  }
0x81: {  	s10 =	sadd.s32 $0x140800, s10;
	[sflag:s18] =	ssyncadd.s32 $0xFFFFC000  }
0x82: {  	[hbm4b:s10+s3] =	stream.linear.scatter [tilespmem:s25], [sflag:$0x5], $0x4000, $0x38;
	[tilespmem:$0x12800] =	vst v63  }
.Ltmp3:
0x83: {  	_ =	swait.ge [sflag:s18], $0x4000;
	(pc) =	sbr.rel @p1 .LBB2_6-.Ltmp3, $4  }
0x84: {  	[sflag:s18] =	ssyncset.done $0x0  }
0x85: {  	s10 =	sadd.s32 $0x80, s9;
	[sflag:s18] =	ssyncadd.s32 $0xFFFFC000  }
0x86: {  	[tilespmem:s23], [sflag:$0x3] =	stream.indirect.gather [hbm4b:s4+s20], $0x80, s10, s20, $0xb8;
	[tilespmem:$0x12800] =	vst v63  }
0x87: {  	s11 =	sadd.s32 $0x80, s5;
	s5 =	sadd.s32 $0x100, s5;
	s9 =	sadd.s32 $0x100, s9  }
.Ltmp4:
0x88: {  	_ = 	snop;
	(pc) =	sbr.rel .LBB2_7-.Ltmp4, $1  }
0x89: {  	_ =	sdelay $0x3  }
.LBB2_2:
0x8a: {  	s5 =	rddreg [dreg:$0x4]  }
0x8b: {  	[tilespmem:s0], [sflag:$0x5] =	stream.linear.gather [hbm4b:s5+s0], $0x1400, $0x38;
	[tilespmem:$0x12800] =	vst v63  }
0x8c: {  	_ =	swait.ge [sflag:s18], $0x1400  }
0x8d: {  	[sflag:s18] =	ssyncset.done $0x0  }
0x8e: {  	s10 =	rddreg [dreg:$0x6];
	[sflag:s18] =	ssyncadd.s32 $0xFFFFEC00  }
0x8f: {  	[tilespmem:s19], [sflag:$0x5] =	stream.linear.gather [hbm4b:s10+s0], $0x1400, $0x38;
	[tilespmem:$0x12800] =	vst v63  }
0x90: {  	_ =	swait.ge [sflag:s18], $0x1400  }
0x91: {  	[sflag:s18] =	ssyncset.done $0x0  }
0x92: {  	[sflag:s18] =	ssyncadd.s32 $0xFFFFEC00  }
0x93: {  	[tilespmem:s21], [sflag:$0x1] =	stream.indirect.gather [hbm4b:s1+s20], $0x80, s0, s20, $0xb8;
	[tilespmem:$0x12800] =	vst v63  }
0x94: {  	_ = 	snop  }
0x95: {  	[tilespmem:s22], [sflag:$0x2] =	stream.indirect.gather [hbm4b:s2+s20], $0x80, s19, s20, $0xb8;
	[tilespmem:$0x12800] =	vst v63  }
0x96: {  	_ = 	snop  }
0x97: {  	[tilespmem:s23], [sflag:$0x3] =	stream.indirect.gather [hbm4b:s1+s20], $0x80, s20, s20, $0xb8;
	[tilespmem:$0x12800] =	vst v63  }
0x98: {  	_ = 	snop  }
0x99: {  	[tilespmem:s25], [sflag:$0x4] =	stream.indirect.gather [hbm4b:s2+s20], $0x80, s24, s20, $0xb8;
	[tilespmem:$0x12800] =	vst v63  }
0x9a: {  	_ =	swait.ge [sflag:s26], $0x4000  }
0x9b: {  	[sflag:s26] =	ssyncset.done $0x0  }
0x9c: {  	[sflag:s26] =	ssyncadd.s32 $0xFFFFC000  }
0x9d: {  	_ =	swait.ge [sflag:s28], $0x4000  }
0x9e: {  	[sflag:s28] =	ssyncset.done $0x0  }
0x9f: {  	s11 =	sadd.s32 $0x0, s17;
	[sflag:s28] =	ssyncadd.s32 $0xFFFFC000  }
0xa0: {  	[hbm4b:s11+s3] =	stream.linear.scatter [tilespmem:s21], [sflag:$0x5], $0x4000, $0x38;
	[tilespmem:$0x12800] =	vst v63  }
0xa1: {  	_ =	swait.ge [sflag:s18], $0x4000  }
0xa2: {  	[sflag:s18] =	ssyncset.done $0x0  }
0xa3: {  	s12 =	sadd.s32 $0x0, s16;
	[sflag:s18] =	ssyncadd.s32 $0xFFFFC000  }
0xa4: {  	[hbm4b:s12+s3] =	stream.linear.scatter [tilespmem:s22], [sflag:$0x5], $0x4000, $0x38;
	[tilespmem:$0x12800] =	vst v63  }
0xa5: {  	_ =	swait.ge [sflag:s18], $0x4000  }
0xa6: {  	[sflag:s18] =	ssyncset.done $0x0  }
0xa7: {  	s9 =	simm.s32 $0x100;
	[sflag:s18] =	ssyncadd.s32 $0xFFFFC000  }
0xa8: {  	[tilespmem:s21], [sflag:$0x1] =	stream.indirect.gather [hbm4b:s1+s20], $0x80, s9, s20, $0xb8;
	[tilespmem:$0x12800] =	vst v63  }
0xa9: {  	s10 =	simm.s32 $0x1500  }
0xaa: {  	[tilespmem:s22], [sflag:$0x2] =	stream.indirect.gather [hbm4b:s2+s20], $0x80, s10, s20, $0xb8;
	[tilespmem:$0x12800] =	vst v63  }
0xab: {  	_ =	swait.ge [sflag:s29], $0x4000  }
0xac: {  	[sflag:s29] =	ssyncset.done $0x0  }
0xad: {  	[sflag:s29] =	ssyncadd.s32 $0xFFFFC000  }
0xae: {  	_ =	swait.ge [sflag:s30], $0x4000  }
0xaf: {  	[sflag:s30] =	ssyncset.done $0x0  }
0xb0: {  	s0 =	sadd.s32 $0x800, s11;
	[sflag:s30] =	ssyncadd.s32 $0xFFFFC000  }
0xb1: {  	[hbm4b:s0+s3] =	stream.linear.scatter [tilespmem:s23], [sflag:$0x5], $0x4000, $0x38;
	[tilespmem:$0x12800] =	vst v63  }
0xb2: {  	_ =	swait.ge [sflag:s18], $0x4000  }
0xb3: {  	[sflag:s18] =	ssyncset.done $0x0  }
0xb4: {  	s11 =	sadd.s32 $0x800, s12;
	[sflag:s18] =	ssyncadd.s32 $0xFFFFC000  }
0xb5: {  	[hbm4b:s11+s3] =	stream.linear.scatter [tilespmem:s25], [sflag:$0x5], $0x4000, $0x38;
	[tilespmem:$0x12800] =	vst v63  }
0xb6: {  	s5 =	simm.s32 $0x1600;
	_ =	swait.ge [sflag:s18], $0x4000  }
0xb7: {  	s12 =	simm.s32 $0x180;
	s9 =	simm.s32 $0x200;
	[sflag:s18] =	ssyncset.done $0x0  }
0xb8: {  	s0 =	simm.s32 $0x1000;
	s11 =	simm.s32 $0x1580;
	[sflag:s18] =	ssyncadd.s32 $0xFFFFC000  }
0xb9: {  	[tilespmem:s23], [sflag:$0x3] =	stream.indirect.gather [hbm4b:s1+s20], $0x80, s12, s20, $0xb8;
	[tilespmem:$0x12800] =	vst v63  }
.LBB2_3:
0xba: {  	[tilespmem:s25], [sflag:$0x4] =	stream.indirect.gather [hbm4b:s2+s20], $0x80, s11, s20, $0xb8;
	[tilespmem:$0x12800] =	vst v63  }
0xbb: {  	s11 =	smov.u32 s0  }
0xbc: {  	p1 =	seq.s32 s0, $0x12000;
	s0 =	sadd.s32 $0x1000, s0;
	_ =	swait.ge [sflag:s26], $0x4000  }
0xbd: {  	[sflag:s26] =	ssyncset.done $0x0  }
0xbe: {  	[sflag:s26] =	ssyncadd.s32 $0xFFFFC000  }
0xbf: {  	_ =	swait.ge [sflag:s28], $0x4000  }
0xc0: {  	[sflag:s28] =	ssyncset.done $0x0  }
0xc1: {  	s12 =	sadd.s32 s11, s17;
	[sflag:s28] =	ssyncadd.s32 $0xFFFFC000  }
0xc2: {  	[hbm4b:s12+s3] =	stream.linear.scatter [tilespmem:s21], [sflag:$0x5], $0x4000, $0x38;
	[tilespmem:$0x12800] =	vst v63  }
0xc3: {  	_ =	swait.ge [sflag:s18], $0x4000  }
0xc4: {  	[sflag:s18] =	ssyncset.done $0x0  }
0xc5: {  	s11 =	sadd.s32 s11, s16;
	[sflag:s18] =	ssyncadd.s32 $0xFFFFC000  }
0xc6: {  	[hbm4b:s11+s3] =	stream.linear.scatter [tilespmem:s22], [sflag:$0x5], $0x4000, $0x38;
	[tilespmem:$0x12800] =	vst v63  }
0xc7: {  	_ =	swait.ge [sflag:s18], $0x4000  }
0xc8: {  	[sflag:s18] =	ssyncset.done $0x0  }
0xc9: {  	[sflag:s18] =	ssyncadd.s32 $0xFFFFC000  }
0xca: {  	[tilespmem:s21], [sflag:$0x1] =	stream.indirect.gather [hbm4b:s1+s20], $0x80, s9, s20, $0xb8;
	[tilespmem:$0x12800] =	vst v63  }
0xcb: {  	_ = 	snop  }
0xcc: {  	[tilespmem:s22], [sflag:$0x2] =	stream.indirect.gather [hbm4b:s2+s20], $0x80, s5, s20, $0xb8;
	[tilespmem:$0x12800] =	vst v63  }
0xcd: {  	_ =	swait.ge [sflag:s29], $0x4000  }
0xce: {  	[sflag:s29] =	ssyncset.done $0x0  }
0xcf: {  	[sflag:s29] =	ssyncadd.s32 $0xFFFFC000  }
0xd0: {  	_ =	swait.ge [sflag:s30], $0x4000  }
0xd1: {  	[sflag:s30] =	ssyncset.done $0x0  }
0xd2: {  	s12 =	sadd.s32 $0x800, s12;
	[sflag:s30] =	ssyncadd.s32 $0xFFFFC000  }
0xd3: {  	[hbm4b:s12+s3] =	stream.linear.scatter [tilespmem:s23], [sflag:$0x5], $0x4000, $0x38;
	[tilespmem:$0x12800] =	vst v63  }
0xd4: {  	_ =	swait.ge [sflag:s18], $0x4000  }
0xd5: {  	[sflag:s18] =	ssyncset.done $0x0  }
0xd6: {  	s11 =	sadd.s32 $0x800, s11;
	[sflag:s18] =	ssyncadd.s32 $0xFFFFC000  }
0xd7: {  	[hbm4b:s11+s3] =	stream.linear.scatter [tilespmem:s25], [sflag:$0x5], $0x4000, $0x38;
	[tilespmem:$0x12800] =	vst v63  }
.Ltmp5:
0xd8: {  	_ =	swait.ge [sflag:s18], $0x4000;
	(pc) =	sbr.rel @!p1 .LBB2_3-.Ltmp5, $4  }
0xd9: {  	[sflag:s18] =	ssyncset.done $0x0  }
0xda: {  	s11 =	sadd.s32 $0x80, s9;
	[sflag:s18] =	ssyncadd.s32 $0xFFFFC000  }
0xdb: {  	[tilespmem:s23], [sflag:$0x3] =	stream.indirect.gather [hbm4b:s1+s20], $0x80, s11, s20, $0xb8;
	[tilespmem:$0x12800] =	vst v63  }
0xdc: {  	s9 =	sadd.s32 $0x100, s9;
	s11 =	sadd.s32 $0x80, s5;
	s5 =	sadd.s32 $0x100, s5  }
.Ltmp6:
0xdd: {  	(pc) =	sbr.rel .LBB2_8-.Ltmp6, $3  }
0xde: {  	_ =	sdelay $0x1  }
0xdf: {  	[tilespmem:s25], [sflag:$0x4] =	stream.indirect.gather [hbm4b:s2+s20], $0x80, s11, s20, $0xb8;
	[tilespmem:$0x12800] =	vst v63  }
0xe0: {  	s0 =	rddreg [dreg:$0x5]  }
.LBB2_9:
0xe1: {  	_ =	sfence.sel $0x180000  }
0xe2: {  	[bflag:$0x0] =	sbarrier.arrive $0xFFFF  }
0xe3: {  	_ =	strace $0x90000047  }
0xe4: {  	s0 =	stileid.u32;
	[bflag:$0x2] =	sbarrier.arrive $0xFFFF  }
0xe5: {  	p0 =	sne.s32 s0, $0x0;
	s0 =	rddreg [dreg:$0x3]  }
0xe6: {  	s0 =	sadd.s32 @!p0 $0x100000, s0  }
0xe7: {  	[sflag:s0] =	ssyncadd.tile.s32 @!p0 $0x1;
	_ =	shalt  }
.Lfunc_end2:
_tile_overlayer_lowered:
.L_overlay_start_2:
0xe8: {  	(tag) =	ssettag $0x2  }
0xe9: {  	s0 =	rddreg [dreg:$0x0];
	s2 =	stileid.u32  }
0xea: {  	s1 =	rddreg [dreg:$0x1];
	p0 =	sne.s32 s2, $0x0  }
0xeb: {  	s3 =	rddreg [dreg:$0x2];
	[bflag:$0x3] =	sbarrier.arrive $0xFFFF;
	s2 =	simm.s32 @!p0 $0x1C05  }
0xec: {  	[timem:s3], [sflag:s2] =	dma.local @!p0 [hbm:s0], s1  }
0xed: {  	s0 =	simm.s32 @!p0 $0x5  }
0xee: {  	_ =	swait.ge @!p0 [sflag:s0], s1  }
0xef: {  	s1 =	ssub.s32 @!p0 $0x0, s1;
	[sflag:s0] =	ssyncset.done @!p0 $0x0  }
0xf0: {  	[sflag:s0] =	ssyncadd.s32 @!p0 s1  }
0xf1: {  	[bflag:$0x3] =	sbarrier.arrive $0xFFFF  }
0xf2: {  	_ =	shalt  }

</sc_bundles>
